<compile_context>
chip_gen: v7x
topology: tpu7x:2x2x1
jax: 0.10.2.dev20260603
libtpu: 0.0.44.dev20260713+nightly
codegen_flags: <defaults>
</compile_context>

<pallas_src>
import functools

import jax
import jax.numpy as jnp
from jax import lax
from jax.experimental import pallas as pl
from jax.experimental.pallas import tpu as pltpu
from jax.experimental.pallas import tpu_sc as plsc

_INFO = plsc.get_sparse_core_info()
_NC = _INFO.num_cores
_NS = _INFO.num_subcores
_NW = _NC * _NS

_CHUNK = 8
_NBUF = 4


def _make_gather(n_tokens: int, dim: int):
  n_per_w = n_tokens // _NW
  n_chunks = n_per_w // _CHUNK
  assert n_chunks % _NBUF == 0 and n_chunks >= 2 * _NBUF
  mesh = plsc.VectorSubcoreMesh(core_axis_name="c", subcore_axis_name="s")

  @functools.partial(
      pl.kernel,
      out_type=jax.ShapeDtypeStruct((n_tokens, dim), jnp.float32),
      mesh=mesh,
      scratch_types=[
          pltpu.VMEM((n_per_w,), jnp.int32),
          [pltpu.VMEM((_CHUNK, dim), jnp.float32) for _ in range(_NBUF)],
          pltpu.VMEM_SHARED((_NS, 2, _CHUNK, dim), jnp.float32),
          [pltpu.SemaphoreType.DMA for _ in range(_NBUF)],
          [pltpu.SemaphoreType.DMA for _ in range(_NBUF)],
          [pltpu.SemaphoreType.DMA for _ in range(2)],
      ],
  )
  def gather_kernel(ids_hbm, table_hbm, out_hbm, idx_v, rows, stage,
                    gsem, csem, hsem):
    sid = lax.axis_index("s")
    wid = sid * _NC + lax.axis_index("c")
    base = wid * n_per_w
    pltpu.sync_copy(ids_hbm.at[pl.ds(base, n_per_w)], idx_v)

    def start_gather(chunk, b):
      pltpu.async_copy(
          table_hbm.at[idx_v.at[pl.ds(chunk * _CHUNK, _CHUNK)]], rows[b],
          gsem[b])

    def wait_gather(b):
      pltpu.make_async_copy(
          table_hbm.at[pl.ds(0, _CHUNK)], rows[b], gsem[b]).wait()

    def start_stage(b):
      pltpu.async_copy(rows[b], stage.at[sid, b % 2], csem[b])

    def wait_stage(b):
      pltpu.make_async_copy(rows[b], stage.at[sid, b % 2], csem[b]).wait()

    def start_store(chunk, b):
      pltpu.async_copy(
          stage.at[sid, b % 2], out_hbm.at[pl.ds(base + chunk * _CHUNK, _CHUNK)],
          hsem[b % 2])

    def wait_store(b):
      pltpu.make_async_copy(
          stage.at[sid, b % 2], out_hbm.at[pl.ds(0, _CHUNK)], hsem[b % 2]).wait()

    for b in range(_NBUF):
      start_gather(b, b)

    def body(go, carry):
      for b in range(_NBUF):
        g = go * _NBUF + b
        wait_gather(b)
        @pl.when((go > 0) | (b >= 2))
        def _():
          wait_store(b)
        start_stage(b)
        wait_stage(b)
        start_store(g, b)

        @pl.when(go < (n_chunks // _NBUF) - 1)
        def _():
          start_gather(g + _NBUF, b)
      return carry

    lax.fori_loop(0, n_chunks // _NBUF, body, 0)
    for b in range(2):
      wait_store(b)

  return gather_kernel


def kernel(input_ids, input_mask, table):
  del input_mask
  b, s = input_ids.shape
  vocab, dim = table.shape
  ids_flat = input_ids.reshape(-1).astype(jnp.int32)
  out = _make_gather(b * s, dim)(ids_flat, table)
  return out.reshape(b, s, dim)

# --- scband reference (transcript-rebuilt; emitter-appended) ---
"""Pipeline reference for scband-embedding-38955353375110 (READ-ONLY COPY).

The authoritative reference and input builder live on the scoring server;
editing this copy changes nothing except your own understanding.
"""

import jax, jax.numpy as jnp
import numpy as np

VOCAB = 100000
DIM = 2048
B = 4
S = 4096
PAD = 0

def setup_inputs(seed: int = 0) -> dict:
    key = jax.random.key(seed)
    k1, k2 = jax.random.split(key)
    input_ids = jax.random.randint(k1, (B, S), 0, VOCAB)
    input_mask = jnp.ones((B, S), dtype=bool)
    table = jax.random.normal(k2, (VOCAB, DIM), dtype=jnp.float32) * 0.02
    # padding_idx row is conventionally zero-initialized in nn.Embedding
    table = table.at[PAD].set(0.0)
    return {"input_ids": input_ids, "input_mask": input_mask, "table": table}

def reference(input_ids, input_mask, table):
    # TensorParallelEmbedding forward (single-shard math): plain row gather.
    # input_mask is carried through the original module but unused in the lookup.
    input_embeds = jnp.take(table, input_ids, axis=0)
    return input_embeds

if __name__ == "__main__":
    import jax
    _d = setup_inputs()
    print(jax.jit(kernel)(*tuple(_d.values())))

</pallas_src>

<mosaic_0001>
#map = affine_map<(d0, d1) -> (0)>
#map1 = affine_map<(d0, d1) -> (0, 0)>
module attributes {stable_mosaic.version = 14 : i64} {
  func.func @gather_kernel(%arg0: i32, %arg1: i32, %arg2: memref<16384xi32, #tpu.memory_space<hbm>>, %arg3: memref<100000x2048xf32, #tpu.memory_space<hbm>>, %arg4: memref<16384x2048xf32, #tpu.memory_space<hbm>>, %arg5: memref<512xi32, #tpu.memory_space<vmem>>, %arg6: memref<8x2048xf32, #tpu.memory_space<vmem>>, %arg7: memref<8x2048xf32, #tpu.memory_space<vmem>>, %arg8: memref<8x2048xf32, #tpu.memory_space<vmem>>, %arg9: memref<8x2048xf32, #tpu.memory_space<vmem>>, %arg10: memref<16x2x8x2048xf32, #tpu.memory_space<vmem_shared>>, %arg11: memref<!tpu.dma_semaphore, #tpu.memory_space<semaphore_mem>>, %arg12: memref<!tpu.dma_semaphore, #tpu.memory_space<semaphore_mem>>, %arg13: memref<!tpu.dma_semaphore, #tpu.memory_space<semaphore_mem>>, %arg14: memref<!tpu.dma_semaphore, #tpu.memory_space<semaphore_mem>>, %arg15: memref<!tpu.dma_semaphore, #tpu.memory_space<semaphore_mem>>, %arg16: memref<!tpu.dma_semaphore, #tpu.memory_space<semaphore_mem>>, %arg17: memref<!tpu.dma_semaphore, #tpu.memory_space<semaphore_mem>>, %arg18: memref<!tpu.dma_semaphore, #tpu.memory_space<semaphore_mem>>, %arg19: memref<!tpu.dma_semaphore, #tpu.memory_space<semaphore_mem>>, %arg20: memref<!tpu.dma_semaphore, #tpu.memory_space<semaphore_mem>>) attributes {dimension_semantics = [#tpu.dimension_semantics<core_parallel>, #tpu.dimension_semantics<subcore_parallel>], iteration_bounds = array<i64: 2, 16>, scalar_prefetch = 0 : i64, scratch_operands = 16 : i64, tpu.core_type = #tpu.core_type<sc_vector_subcore>, window_params = [{transform_indices = #map}, {transform_indices = #map1}, {transform_indices = #map1}]} {
    %mul3A = arith.constant 2 : i32
    %mul3A_0 = arith.muli %arg1, %mul3A : i32
    %add3A = arith.addi %mul3A_0, %arg0 : i32
    %mul3A_1 = arith.constant 512 : i32
    %mul3A_2 = arith.muli %add3A, %mul3A_1 : i32
    "tpu.region"() ({
      %run_scoped3A = tpu.sem_alloc : memref<!tpu.dma_semaphore, #tpu.memory_space<semaphore_mem>>
      %dma_start3A_42 = tpu.memref_slice %arg2[%mul3A_2] : memref<16384xi32, #tpu.memory_space<hbm>> -> memref<512xi32, #tpu.memory_space<hbm>>
      %dma_start3A_43 = tpu.memref_slice %arg2[%mul3A_2] : memref<16384xi32, #tpu.memory_space<hbm>> -> memref<512xi32, #tpu.memory_space<hbm>>
      tpu.enqueue_dma source(%dma_start3A_43 : memref<512xi32, #tpu.memory_space<hbm>>) target(%arg5 : memref<512xi32, #tpu.memory_space<vmem>>) target_semaphore(%run_scoped3A : memref<!tpu.dma_semaphore, #tpu.memory_space<semaphore_mem>>)
      %dma_wait3A_44 = tpu.memref_slice %arg2[%mul3A_2] : memref<16384xi32, #tpu.memory_space<hbm>> -> memref<512xi32, #tpu.memory_space<hbm>>
      %dma_wait3A_45 = tpu.memref_slice %arg2[%mul3A_2] : memref<16384xi32, #tpu.memory_space<hbm>> -> memref<512xi32, #tpu.memory_space<hbm>>
      tpu.wait_dma2 semaphore(%run_scoped3A : memref<!tpu.dma_semaphore, #tpu.memory_space<semaphore_mem>>) src(%dma_wait3A_45 : memref<512xi32, #tpu.memory_space<hbm>>) dst(%arg5 : memref<512xi32, #tpu.memory_space<vmem>>)
      tpu.yield
    }) : () -> ()
    %dma_start3A = arith.constant 0 : i32
    %dma_start3A_3 = tpu.memref_slice %arg5[%dma_start3A] : memref<512xi32, #tpu.memory_space<vmem>> -> memref<8xi32, #tpu.memory_space<vmem>>
    %dma_start3A_4 = arith.constant 0 : i32
    %dma_start3A_5 = arith.constant 0 : i32
    %dma_start3A_6 = tpu.memref_slice %arg3[%dma_start3A_4, %dma_start3A_5] : memref<100000x2048xf32, #tpu.memory_space<hbm>> -> memref<100000x2048xf32, #tpu.memory_space<hbm>>
    tpu.enqueue_indirect_dma source(%dma_start3A_6 : memref<100000x2048xf32, #tpu.memory_space<hbm>>) target(%arg6 : memref<8x2048xf32, #tpu.memory_space<vmem>>) offsets(%dma_start3A_3 : memref<8xi32, #tpu.memory_space<vmem>>) semaphore(%arg11 : memref<!tpu.dma_semaphore, #tpu.memory_space<semaphore_mem>>)
    %dma_start3A_7 = arith.constant 8 : i32
    %dma_start3A_8 = tpu.memref_slice %arg5[%dma_start3A_7] : memref<512xi32, #tpu.memory_space<vmem>> -> memref<8xi32, #tpu.memory_space<vmem>>
    %dma_start3A_9 = arith.constant 0 : i32
    %dma_start3A_10 = arith.constant 0 : i32
    %dma_start3A_11 = tpu.memref_slice %arg3[%dma_start3A_9, %dma_start3A_10] : memref<100000x2048xf32, #tpu.memory_space<hbm>> -> memref<100000x2048xf32, #tpu.memory_space<hbm>>
    tpu.enqueue_indirect_dma source(%dma_start3A_11 : memref<100000x2048xf32, #tpu.memory_space<hbm>>) target(%arg7 : memref<8x2048xf32, #tpu.memory_space<vmem>>) offsets(%dma_start3A_8 : memref<8xi32, #tpu.memory_space<vmem>>) semaphore(%arg12 : memref<!tpu.dma_semaphore, #tpu.memory_space<semaphore_mem>>)
    %dma_start3A_12 = arith.constant 16 : i32
    %dma_start3A_13 = tpu.memref_slice %arg5[%dma_start3A_12] : memref<512xi32, #tpu.memory_space<vmem>> -> memref<8xi32, #tpu.memory_space<vmem>>
    %dma_start3A_14 = arith.constant 0 : i32
    %dma_start3A_15 = arith.constant 0 : i32
    %dma_start3A_16 = tpu.memref_slice %arg3[%dma_start3A_14, %dma_start3A_15] : memref<100000x2048xf32, #tpu.memory_space<hbm>> -> memref<100000x2048xf32, #tpu.memory_space<hbm>>
    tpu.enqueue_indirect_dma source(%dma_start3A_16 : memref<100000x2048xf32, #tpu.memory_space<hbm>>) target(%arg8 : memref<8x2048xf32, #tpu.memory_space<vmem>>) offsets(%dma_start3A_13 : memref<8xi32, #tpu.memory_space<vmem>>) semaphore(%arg13 : memref<!tpu.dma_semaphore, #tpu.memory_space<semaphore_mem>>)
    %dma_start3A_17 = arith.constant 24 : i32
    %dma_start3A_18 = tpu.memref_slice %arg5[%dma_start3A_17] : memref<512xi32, #tpu.memory_space<vmem>> -> memref<8xi32, #tpu.memory_space<vmem>>
    %dma_start3A_19 = arith.constant 0 : i32
    %dma_start3A_20 = arith.constant 0 : i32
    %dma_start3A_21 = tpu.memref_slice %arg3[%dma_start3A_19, %dma_start3A_20] : memref<100000x2048xf32, #tpu.memory_space<hbm>> -> memref<100000x2048xf32, #tpu.memory_space<hbm>>
    tpu.enqueue_indirect_dma source(%dma_start3A_21 : memref<100000x2048xf32, #tpu.memory_space<hbm>>) target(%arg9 : memref<8x2048xf32, #tpu.memory_space<vmem>>) offsets(%dma_start3A_18 : memref<8xi32, #tpu.memory_space<vmem>>) semaphore(%arg14 : memref<!tpu.dma_semaphore, #tpu.memory_space<semaphore_mem>>)
    %scan3A = arith.constant 0 : i32
    %scan3A_22 = arith.constant 0 : i32
    %scan3A_23 = arith.constant 16 : i32
    %scan3A_24 = arith.addi %scan3A_22, %scan3A_23 : i32
    %scan3A_25 = arith.constant 1 : i32
    scf.for %scan3A_42 = %scan3A_22 to %scan3A_24 step %scan3A_25  : i32 {
      %mul3A_43 = arith.constant 4 : i32
      %mul3A_44 = arith.muli %scan3A_42, %mul3A_43 : i32
      %add3A_45 = arith.constant 0 : i32
      %add3A_46 = arith.addi %mul3A_44, %add3A_45 : i32
      %dma_wait3A_47 = arith.constant 0 : i32
      %dma_wait3A_48 = arith.constant 0 : i32
      %dma_wait3A_49 = tpu.memref_slice %arg3[%dma_wait3A_47, %dma_wait3A_48] : memref<100000x2048xf32, #tpu.memory_space<hbm>> -> memref<8x2048xf32, #tpu.memory_space<hbm>>
      %dma_wait3A_50 = arith.constant 0 : i32
      %dma_wait3A_51 = arith.constant 0 : i32
      %dma_wait3A_52 = tpu.memref_slice %arg3[%dma_wait3A_50, %dma_wait3A_51] : memref<100000x2048xf32, #tpu.memory_space<hbm>> -> memref<8x2048xf32, #tpu.memory_space<hbm>>
      tpu.wait_dma2 semaphore(%arg11 : memref<!tpu.dma_semaphore, #tpu.memory_space<semaphore_mem>>) src(%dma_wait3A_52 : memref<8x2048xf32, #tpu.memory_space<hbm>>) dst(%arg6 : memref<8x2048xf32, #tpu.memory_space<vmem>>)
      %gt3A = arith.constant 0 : i32
      %gt3A_53 = arith.cmpi sgt, %scan3A_42, %gt3A : i32
      %or3A = arith.constant false
      %or3A_54 = arith.ori %gt3A_53, %or3A : i1
      %convert_element_type3A = arith.extui %or3A_54 : i1 to i32
      %cond3A = arith.constant 0 : i32
      %cond3A_55 = arith.cmpi ne, %convert_element_type3A, %cond3A : i32
      scf.if %cond3A_55 {
        %dma_wait3A_238 = arith.constant 0 : i32
        %dma_wait3A_239 = arith.constant 0 : i32
        %dma_wait3A_240 = arith.constant 0 : i32
        %dma_wait3A_241 = tpu.memref_slice %arg4[%dma_wait3A_239, %dma_wait3A_240] : memref<16384x2048xf32, #tpu.memory_space<hbm>> -> memref<8x2048xf32, #tpu.memory_space<hbm>>
        %dma_wait3A_242 = arith.constant 0 : i32
        %dma_wait3A_243 = arith.constant 0 : i32
        %dma_wait3A_244 = tpu.memref_slice %arg10[%arg1, %dma_wait3A_238, %dma_wait3A_242, %dma_wait3A_243] : memref<16x2x8x2048xf32, #tpu.memory_space<vmem_shared>> -> memref<1x1x8x2048xf32, #tpu.memory_space<vmem_shared>>
        %dma_wait3A_245 = tpu.memref_squeeze %dma_wait3A_244 : memref<1x1x8x2048xf32, #tpu.memory_space<vmem_shared>> -> memref<8x2048xf32, #tpu.memory_space<vmem_shared>>
        tpu.wait_dma2 semaphore(%arg19 : memref<!tpu.dma_semaphore, #tpu.memory_space<semaphore_mem>>) src(%dma_wait3A_245 : memref<8x2048xf32, #tpu.memory_space<vmem_shared>>) dst(%dma_wait3A_241 : memref<8x2048xf32, #tpu.memory_space<hbm>>)
      } else {
      }
      %dma_start3A_56 = arith.constant 0 : i32
      %dma_start3A_57 = arith.constant 0 : i32
      %dma_start3A_58 = arith.constant 0 : i32
      %dma_start3A_59 = tpu.memref_slice %arg10[%arg1, %dma_start3A_56, %dma_start3A_57, %dma_start3A_58] : memref<16x2x8x2048xf32, #tpu.memory_space<vmem_shared>> -> memref<1x1x8x2048xf32, #tpu.memory_space<vmem_shared>>
      %dma_start3A_60 = tpu.memref_squeeze %dma_start3A_59 : memref<1x1x8x2048xf32, #tpu.memory_space<vmem_shared>> -> memref<8x2048xf32, #tpu.memory_space<vmem_shared>>
      %dma_start3A_61 = arith.constant 0 : i32
      %dma_start3A_62 = arith.constant 0 : i32
      %dma_start3A_63 = tpu.memref_slice %arg10[%arg1, %dma_start3A_56, %dma_start3A_61, %dma_start3A_62] : memref<16x2x8x2048xf32, #tpu.memory_space<vmem_shared>> -> memref<1x1x8x2048xf32, #tpu.memory_space<vmem_shared>>
      %dma_start3A_64 = tpu.memref_squeeze %dma_start3A_63 : memref<1x1x8x2048xf32, #tpu.memory_space<vmem_shared>> -> memref<8x2048xf32, #tpu.memory_space<vmem_shared>>
      tpu.enqueue_dma source(%arg6 : memref<8x2048xf32, #tpu.memory_space<vmem>>) target(%dma_start3A_64 : memref<8x2048xf32, #tpu.memory_space<vmem_shared>>) target_semaphore(%arg15 : memref<!tpu.dma_semaphore, #tpu.memory_space<semaphore_mem>>)
      %dma_wait3A_65 = arith.constant 0 : i32
      %dma_wait3A_66 = arith.constant 0 : i32
      %dma_wait3A_67 = arith.constant 0 : i32
      %dma_wait3A_68 = tpu.memref_slice %arg10[%arg1, %dma_wait3A_65, %dma_wait3A_66, %dma_wait3A_67] : memref<16x2x8x2048xf32, #tpu.memory_space<vmem_shared>> -> memref<1x1x8x2048xf32, #tpu.memory_space<vmem_shared>>
      %dma_wait3A_69 = tpu.memref_squeeze %dma_wait3A_68 : memref<1x1x8x2048xf32, #tpu.memory_space<vmem_shared>> -> memref<8x2048xf32, #tpu.memory_space<vmem_shared>>
      %dma_wait3A_70 = arith.constant 0 : i32
      %dma_wait3A_71 = arith.constant 0 : i32
      %dma_wait3A_72 = tpu.memref_slice %arg10[%arg1, %dma_wait3A_65, %dma_wait3A_70, %dma_wait3A_71] : memref<16x2x8x2048xf32, #tpu.memory_space<vmem_shared>> -> memref<1x1x8x2048xf32, #tpu.memory_space<vmem_shared>>
      %dma_wait3A_73 = tpu.memref_squeeze %dma_wait3A_72 : memref<1x1x8x2048xf32, #tpu.memory_space<vmem_shared>> -> memref<8x2048xf32, #tpu.memory_space<vmem_shared>>
      tpu.wait_dma2 semaphore(%arg15 : memref<!tpu.dma_semaphore, #tpu.memory_space<semaphore_mem>>) src(%arg6 : memref<8x2048xf32, #tpu.memory_space<vmem>>) dst(%dma_wait3A_73 : memref<8x2048xf32, #tpu.memory_space<vmem_shared>>)
      %mul3A_74 = arith.constant 8 : i32
      %mul3A_75 = arith.muli %add3A_46, %mul3A_74 : i32
      %add3A_76 = arith.addi %mul3A_2, %mul3A_75 : i32
      %dma_start3A_77 = arith.constant 0 : i32
      %dma_start3A_78 = arith.constant 0 : i32
      %dma_start3A_79 = tpu.memref_slice %arg4[%add3A_76, %dma_start3A_78] : memref<16384x2048xf32, #tpu.memory_space<hbm>> -> memref<8x2048xf32, #tpu.memory_space<hbm>>
      %dma_start3A_80 = arith.constant 0 : i32
      %dma_start3A_81 = arith.constant 0 : i32
      %dma_start3A_82 = tpu.memref_slice %arg10[%arg1, %dma_start3A_77, %dma_start3A_80, %dma_start3A_81] : memref<16x2x8x2048xf32, #tpu.memory_space<vmem_shared>> -> memref<1x1x8x2048xf32, #tpu.memory_space<vmem_shared>>
      %dma_start3A_83 = tpu.memref_squeeze %dma_start3A_82 : memref<1x1x8x2048xf32, #tpu.memory_space<vmem_shared>> -> memref<8x2048xf32, #tpu.memory_space<vmem_shared>>
      tpu.enqueue_dma source(%dma_start3A_83 : memref<8x2048xf32, #tpu.memory_space<vmem_shared>>) target(%dma_start3A_79 : memref<8x2048xf32, #tpu.memory_space<hbm>>) target_semaphore(%arg19 : memref<!tpu.dma_semaphore, #tpu.memory_space<semaphore_mem>>)
      %lt3A = arith.constant 15 : i32
      %lt3A_84 = arith.cmpi slt, %scan3A_42, %lt3A : i32
      %convert_element_type3A_85 = arith.extui %lt3A_84 : i1 to i32
      %cond3A_86 = arith.constant 0 : i32
      %cond3A_87 = arith.cmpi ne, %convert_element_type3A_85, %cond3A_86 : i32
      scf.if %cond3A_87 {
        %add3A_238 = arith.constant 4 : i32
        %add3A_239 = arith.addi %add3A_46, %add3A_238 : i32
        %mul3A_240 = arith.constant 8 : i32
        %mul3A_241 = arith.muli %add3A_239, %mul3A_240 : i32
        %dma_start3A_242 = tpu.memref_slice %arg5[%mul3A_241] : memref<512xi32, #tpu.memory_space<vmem>> -> memref<8xi32, #tpu.memory_space<vmem>>
        %dma_start3A_243 = arith.constant 0 : i32
        %dma_start3A_244 = arith.constant 0 : i32
        %dma_start3A_245 = tpu.memref_slice %arg3[%dma_start3A_243, %dma_start3A_244] : memref<100000x2048xf32, #tpu.memory_space<hbm>> -> memref<100000x2048xf32, #tpu.memory_space<hbm>>
        tpu.enqueue_indirect_dma source(%dma_start3A_245 : memref<100000x2048xf32, #tpu.memory_space<hbm>>) target(%arg6 : memref<8x2048xf32, #tpu.memory_space<vmem>>) offsets(%dma_start3A_242 : memref<8xi32, #tpu.memory_space<vmem>>) semaphore(%arg11 : memref<!tpu.dma_semaphore, #tpu.memory_space<semaphore_mem>>)
      } else {
      }
      %mul3A_88 = arith.constant 4 : i32
      %mul3A_89 = arith.muli %scan3A_42, %mul3A_88 : i32
      %add3A_90 = arith.constant 1 : i32
      %add3A_91 = arith.addi %mul3A_89, %add3A_90 : i32
      %dma_wait3A_92 = arith.constant 0 : i32
      %dma_wait3A_93 = arith.constant 0 : i32
      %dma_wait3A_94 = tpu.memref_slice %arg3[%dma_wait3A_92, %dma_wait3A_93] : memref<100000x2048xf32, #tpu.memory_space<hbm>> -> memref<8x2048xf32, #tpu.memory_space<hbm>>
      %dma_wait3A_95 = arith.constant 0 : i32
      %dma_wait3A_96 = arith.constant 0 : i32
      %dma_wait3A_97 = tpu.memref_slice %arg3[%dma_wait3A_95, %dma_wait3A_96] : memref<100000x2048xf32, #tpu.memory_space<hbm>> -> memref<8x2048xf32, #tpu.memory_space<hbm>>
      tpu.wait_dma2 semaphore(%arg12 : memref<!tpu.dma_semaphore, #tpu.memory_space<semaphore_mem>>) src(%dma_wait3A_97 : memref<8x2048xf32, #tpu.memory_space<hbm>>) dst(%arg7 : memref<8x2048xf32, #tpu.memory_space<vmem>>)
      %gt3A_98 = arith.constant 0 : i32
      %gt3A_99 = arith.cmpi sgt, %scan3A_42, %gt3A_98 : i32
      %or3A_100 = arith.constant false
      %or3A_101 = arith.ori %gt3A_99, %or3A_100 : i1
      %convert_element_type3A_102 = arith.extui %or3A_101 : i1 to i32
      %cond3A_103 = arith.constant 0 : i32
      %cond3A_104 = arith.cmpi ne, %convert_element_type3A_102, %cond3A_103 : i32
      scf.if %cond3A_104 {
        %dma_wait3A_238 = arith.constant 1 : i32
        %dma_wait3A_239 = arith.constant 0 : i32
        %dma_wait3A_240 = arith.constant 0 : i32
        %dma_wait3A_241 = tpu.memref_slice %arg4[%dma_wait3A_239, %dma_wait3A_240] : memref<16384x2048xf32, #tpu.memory_space<hbm>> -> memref<8x2048xf32, #tpu.memory_space<hbm>>
        %dma_wait3A_242 = arith.constant 0 : i32
        %dma_wait3A_243 = arith.constant 0 : i32
        %dma_wait3A_244 = tpu.memref_slice %arg10[%arg1, %dma_wait3A_238, %dma_wait3A_242, %dma_wait3A_243] : memref<16x2x8x2048xf32, #tpu.memory_space<vmem_shared>> -> memref<1x1x8x2048xf32, #tpu.memory_space<vmem_shared>>
        %dma_wait3A_245 = tpu.memref_squeeze %dma_wait3A_244 : memref<1x1x8x2048xf32, #tpu.memory_space<vmem_shared>> -> memref<8x2048xf32, #tpu.memory_space<vmem_shared>>
        tpu.wait_dma2 semaphore(%arg20 : memref<!tpu.dma_semaphore, #tpu.memory_space<semaphore_mem>>) src(%dma_wait3A_245 : memref<8x2048xf32, #tpu.memory_space<vmem_shared>>) dst(%dma_wait3A_241 : memref<8x2048xf32, #tpu.memory_space<hbm>>)
      } else {
      }
      %dma_start3A_105 = arith.constant 1 : i32
      %dma_start3A_106 = arith.constant 0 : i32
      %dma_start3A_107 = arith.constant 0 : i32
      %dma_start3A_108 = tpu.memref_slice %arg10[%arg1, %dma_start3A_105, %dma_start3A_106, %dma_start3A_107] : memref<16x2x8x2048xf32, #tpu.memory_space<vmem_shared>> -> memref<1x1x8x2048xf32, #tpu.memory_space<vmem_shared>>
      %dma_start3A_109 = tpu.memref_squeeze %dma_start3A_108 : memref<1x1x8x2048xf32, #tpu.memory_space<vmem_shared>> -> memref<8x2048xf32, #tpu.memory_space<vmem_shared>>
      %dma_start3A_110 = arith.constant 0 : i32
      %dma_start3A_111 = arith.constant 0 : i32
      %dma_start3A_112 = tpu.memref_slice %arg10[%arg1, %dma_start3A_105, %dma_start3A_110, %dma_start3A_111] : memref<16x2x8x2048xf32, #tpu.memory_space<vmem_shared>> -> memref<1x1x8x2048xf32, #tpu.memory_space<vmem_shared>>
      %dma_start3A_113 = tpu.memref_squeeze %dma_start3A_112 : memref<1x1x8x2048xf32, #tpu.memory_space<vmem_shared>> -> memref<8x2048xf32, #tpu.memory_space<vmem_shared>>
      tpu.enqueue_dma source(%arg7 : memref<8x2048xf32, #tpu.memory_space<vmem>>) target(%dma_start3A_113 : memref<8x2048xf32, #tpu.memory_space<vmem_shared>>) target_semaphore(%arg16 : memref<!tpu.dma_semaphore, #tpu.memory_space<semaphore_mem>>)
      %dma_wait3A_114 = arith.constant 1 : i32
      %dma_wait3A_115 = arith.constant 0 : i32
      %dma_wait3A_116 = arith.constant 0 : i32
      %dma_wait3A_117 = tpu.memref_slice %arg10[%arg1, %dma_wait3A_114, %dma_wait3A_115, %dma_wait3A_116] : memref<16x2x8x2048xf32, #tpu.memory_space<vmem_shared>> -> memref<1x1x8x2048xf32, #tpu.memory_space<vmem_shared>>
      %dma_wait3A_118 = tpu.memref_squeeze %dma_wait3A_117 : memref<1x1x8x2048xf32, #tpu.memory_space<vmem_shared>> -> memref<8x2048xf32, #tpu.memory_space<vmem_shared>>
      %dma_wait3A_119 = arith.constant 0 : i32
      %dma_wait3A_120 = arith.constant 0 : i32
      %dma_wait3A_121 = tpu.memref_slice %arg10[%arg1, %dma_wait3A_114, %dma_wait3A_119, %dma_wait3A_120] : memref<16x2x8x2048xf32, #tpu.memory_space<vmem_shared>> -> memref<1x1x8x2048xf32, #tpu.memory_space<vmem_shared>>
      %dma_wait3A_122 = tpu.memref_squeeze %dma_wait3A_121 : memref<1x1x8x2048xf32, #tpu.memory_space<vmem_shared>> -> memref<8x2048xf32, #tpu.memory_space<vmem_shared>>
      tpu.wait_dma2 semaphore(%arg16 : memref<!tpu.dma_semaphore, #tpu.memory_space<semaphore_mem>>) src(%arg7 : memref<8x2048xf32, #tpu.memory_space<vmem>>) dst(%dma_wait3A_122 : memref<8x2048xf32, #tpu.memory_space<vmem_shared>>)
      %mul3A_123 = arith.constant 8 : i32
      %mul3A_124 = arith.muli %add3A_91, %mul3A_123 : i32
      %add3A_125 = arith.addi %mul3A_2, %mul3A_124 : i32
      %dma_start3A_126 = arith.constant 1 : i32
      %dma_start3A_127 = arith.constant 0 : i32
      %dma_start3A_128 = tpu.memref_slice %arg4[%add3A_125, %dma_start3A_127] : memref<16384x2048xf32, #tpu.memory_space<hbm>> -> memref<8x2048xf32, #tpu.memory_space<hbm>>
      %dma_start3A_129 = arith.constant 0 : i32
      %dma_start3A_130 = arith.constant 0 : i32
      %dma_start3A_131 = tpu.memref_slice %arg10[%arg1, %dma_start3A_126, %dma_start3A_129, %dma_start3A_130] : memref<16x2x8x2048xf32, #tpu.memory_space<vmem_shared>> -> memref<1x1x8x2048xf32, #tpu.memory_space<vmem_shared>>
      %dma_start3A_132 = tpu.memref_squeeze %dma_start3A_131 : memref<1x1x8x2048xf32, #tpu.memory_space<vmem_shared>> -> memref<8x2048xf32, #tpu.memory_space<vmem_shared>>
      tpu.enqueue_dma source(%dma_start3A_132 : memref<8x2048xf32, #tpu.memory_space<vmem_shared>>) target(%dma_start3A_128 : memref<8x2048xf32, #tpu.memory_space<hbm>>) target_semaphore(%arg20 : memref<!tpu.dma_semaphore, #tpu.memory_space<semaphore_mem>>)
      %lt3A_133 = arith.constant 15 : i32
      %lt3A_134 = arith.cmpi slt, %scan3A_42, %lt3A_133 : i32
      %convert_element_type3A_135 = arith.extui %lt3A_134 : i1 to i32
      %cond3A_136 = arith.constant 0 : i32
      %cond3A_137 = arith.cmpi ne, %convert_element_type3A_135, %cond3A_136 : i32
      scf.if %cond3A_137 {
        %add3A_238 = arith.constant 4 : i32
        %add3A_239 = arith.addi %add3A_91, %add3A_238 : i32
        %mul3A_240 = arith.constant 8 : i32
        %mul3A_241 = arith.muli %add3A_239, %mul3A_240 : i32
        %dma_start3A_242 = tpu.memref_slice %arg5[%mul3A_241] : memref<512xi32, #tpu.memory_space<vmem>> -> memref<8xi32, #tpu.memory_space<vmem>>
        %dma_start3A_243 = arith.constant 0 : i32
        %dma_start3A_244 = arith.constant 0 : i32
        %dma_start3A_245 = tpu.memref_slice %arg3[%dma_start3A_243, %dma_start3A_244] : memref<100000x2048xf32, #tpu.memory_space<hbm>> -> memref<100000x2048xf32, #tpu.memory_space<hbm>>
        tpu.enqueue_indirect_dma source(%dma_start3A_245 : memref<100000x2048xf32, #tpu.memory_space<hbm>>) target(%arg7 : memref<8x2048xf32, #tpu.memory_space<vmem>>) offsets(%dma_start3A_242 : memref<8xi32, #tpu.memory_space<vmem>>) semaphore(%arg12 : memref<!tpu.dma_semaphore, #tpu.memory_space<semaphore_mem>>)
      } else {
      }
      %mul3A_138 = arith.constant 4 : i32
      %mul3A_139 = arith.muli %scan3A_42, %mul3A_138 : i32
      %add3A_140 = arith.constant 2 : i32
      %add3A_141 = arith.addi %mul3A_139, %add3A_140 : i32
      %dma_wait3A_142 = arith.constant 0 : i32
      %dma_wait3A_143 = arith.constant 0 : i32
      %dma_wait3A_144 = tpu.memref_slice %arg3[%dma_wait3A_142, %dma_wait3A_143] : memref<100000x2048xf32, #tpu.memory_space<hbm>> -> memref<8x2048xf32, #tpu.memory_space<hbm>>
      %dma_wait3A_145 = arith.constant 0 : i32
      %dma_wait3A_146 = arith.constant 0 : i32
      %dma_wait3A_147 = tpu.memref_slice %arg3[%dma_wait3A_145, %dma_wait3A_146] : memref<100000x2048xf32, #tpu.memory_space<hbm>> -> memref<8x2048xf32, #tpu.memory_space<hbm>>
      tpu.wait_dma2 semaphore(%arg13 : memref<!tpu.dma_semaphore, #tpu.memory_space<semaphore_mem>>) src(%dma_wait3A_147 : memref<8x2048xf32, #tpu.memory_space<hbm>>) dst(%arg8 : memref<8x2048xf32, #tpu.memory_space<vmem>>)
      %gt3A_148 = arith.constant 0 : i32
      %gt3A_149 = arith.cmpi sgt, %scan3A_42, %gt3A_148 : i32
      %or3A_150 = arith.constant true
      %or3A_151 = arith.ori %gt3A_149, %or3A_150 : i1
      %convert_element_type3A_152 = arith.extui %or3A_151 : i1 to i32
      %cond3A_153 = arith.constant 0 : i32
      %cond3A_154 = arith.cmpi ne, %convert_element_type3A_152, %cond3A_153 : i32
      scf.if %cond3A_154 {
        %dma_wait3A_238 = arith.constant 0 : i32
        %dma_wait3A_239 = arith.constant 0 : i32
        %dma_wait3A_240 = arith.constant 0 : i32
        %dma_wait3A_241 = tpu.memref_slice %arg4[%dma_wait3A_239, %dma_wait3A_240] : memref<16384x2048xf32, #tpu.memory_space<hbm>> -> memref<8x2048xf32, #tpu.memory_space<hbm>>
        %dma_wait3A_242 = arith.constant 0 : i32
        %dma_wait3A_243 = arith.constant 0 : i32
        %dma_wait3A_244 = tpu.memref_slice %arg10[%arg1, %dma_wait3A_238, %dma_wait3A_242, %dma_wait3A_243] : memref<16x2x8x2048xf32, #tpu.memory_space<vmem_shared>> -> memref<1x1x8x2048xf32, #tpu.memory_space<vmem_shared>>
        %dma_wait3A_245 = tpu.memref_squeeze %dma_wait3A_244 : memref<1x1x8x2048xf32, #tpu.memory_space<vmem_shared>> -> memref<8x2048xf32, #tpu.memory_space<vmem_shared>>
        tpu.wait_dma2 semaphore(%arg19 : memref<!tpu.dma_semaphore, #tpu.memory_space<semaphore_mem>>) src(%dma_wait3A_245 : memref<8x2048xf32, #tpu.memory_space<vmem_shared>>) dst(%dma_wait3A_241 : memref<8x2048xf32, #tpu.memory_space<hbm>>)
      } else {
      }
      %dma_start3A_155 = arith.constant 0 : i32
      %dma_start3A_156 = arith.constant 0 : i32
      %dma_start3A_157 = arith.constant 0 : i32
      %dma_start3A_158 = tpu.memref_slice %arg10[%arg1, %dma_start3A_155, %dma_start3A_156, %dma_start3A_157] : memref<16x2x8x2048xf32, #tpu.memory_space<vmem_shared>> -> memref<1x1x8x2048xf32, #tpu.memory_space<vmem_shared>>
      %dma_start3A_159 = tpu.memref_squeeze %dma_start3A_158 : memref<1x1x8x2048xf32, #tpu.memory_space<vmem_shared>> -> memref<8x2048xf32, #tpu.memory_space<vmem_shared>>
      %dma_start3A_160 = arith.constant 0 : i32
      %dma_start3A_161 = arith.constant 0 : i32
      %dma_start3A_162 = tpu.memref_slice %arg10[%arg1, %dma_start3A_155, %dma_start3A_160, %dma_start3A_161] : memref<16x2x8x2048xf32, #tpu.memory_space<vmem_shared>> -> memref<1x1x8x2048xf32, #tpu.memory_space<vmem_shared>>
      %dma_start3A_163 = tpu.memref_squeeze %dma_start3A_162 : memref<1x1x8x2048xf32, #tpu.memory_space<vmem_shared>> -> memref<8x2048xf32, #tpu.memory_space<vmem_shared>>
      tpu.enqueue_dma source(%arg8 : memref<8x2048xf32, #tpu.memory_space<vmem>>) target(%dma_start3A_163 : memref<8x2048xf32, #tpu.memory_space<vmem_shared>>) target_semaphore(%arg17 : memref<!tpu.dma_semaphore, #tpu.memory_space<semaphore_mem>>)
      %dma_wait3A_164 = arith.constant 0 : i32
      %dma_wait3A_165 = arith.constant 0 : i32
      %dma_wait3A_166 = arith.constant 0 : i32
      %dma_wait3A_167 = tpu.memref_slice %arg10[%arg1, %dma_wait3A_164, %dma_wait3A_165, %dma_wait3A_166] : memref<16x2x8x2048xf32, #tpu.memory_space<vmem_shared>> -> memref<1x1x8x2048xf32, #tpu.memory_space<vmem_shared>>
      %dma_wait3A_168 = tpu.memref_squeeze %dma_wait3A_167 : memref<1x1x8x2048xf32, #tpu.memory_space<vmem_shared>> -> memref<8x2048xf32, #tpu.memory_space<vmem_shared>>
      %dma_wait3A_169 = arith.constant 0 : i32
      %dma_wait3A_170 = arith.constant 0 : i32
      %dma_wait3A_171 = tpu.memref_slice %arg10[%arg1, %dma_wait3A_164, %dma_wait3A_169, %dma_wait3A_170] : memref<16x2x8x2048xf32, #tpu.memory_space<vmem_shared>> -> memref<1x1x8x2048xf32, #tpu.memory_space<vmem_shared>>
      %dma_wait3A_172 = tpu.memref_squeeze %dma_wait3A_171 : memref<1x1x8x2048xf32, #tpu.memory_space<vmem_shared>> -> memref<8x2048xf32, #tpu.memory_space<vmem_shared>>
      tpu.wait_dma2 semaphore(%arg17 : memref<!tpu.dma_semaphore, #tpu.memory_space<semaphore_mem>>) src(%arg8 : memref<8x2048xf32, #tpu.memory_space<vmem>>) dst(%dma_wait3A_172 : memref<8x2048xf32, #tpu.memory_space<vmem_shared>>)
      %mul3A_173 = arith.constant 8 : i32
      %mul3A_174 = arith.muli %add3A_141, %mul3A_173 : i32
      %add3A_175 = arith.addi %mul3A_2, %mul3A_174 : i32
      %dma_start3A_176 = arith.constant 0 : i32
      %dma_start3A_177 = arith.constant 0 : i32
      %dma_start3A_178 = tpu.memref_slice %arg4[%add3A_175, %dma_start3A_177] : memref<16384x2048xf32, #tpu.memory_space<hbm>> -> memref<8x2048xf32, #tpu.memory_space<hbm>>
      %dma_start3A_179 = arith.constant 0 : i32
      %dma_start3A_180 = arith.constant 0 : i32
      %dma_start3A_181 = tpu.memref_slice %arg10[%arg1, %dma_start3A_176, %dma_start3A_179, %dma_start3A_180] : memref<16x2x8x2048xf32, #tpu.memory_space<vmem_shared>> -> memref<1x1x8x2048xf32, #tpu.memory_space<vmem_shared>>
      %dma_start3A_182 = tpu.memref_squeeze %dma_start3A_181 : memref<1x1x8x2048xf32, #tpu.memory_space<vmem_shared>> -> memref<8x2048xf32, #tpu.memory_space<vmem_shared>>
      tpu.enqueue_dma source(%dma_start3A_182 : memref<8x2048xf32, #tpu.memory_space<vmem_shared>>) target(%dma_start3A_178 : memref<8x2048xf32, #tpu.memory_space<hbm>>) target_semaphore(%arg19 : memref<!tpu.dma_semaphore, #tpu.memory_space<semaphore_mem>>)
      %lt3A_183 = arith.constant 15 : i32
      %lt3A_184 = arith.cmpi slt, %scan3A_42, %lt3A_183 : i32
      %convert_element_type3A_185 = arith.extui %lt3A_184 : i1 to i32
      %cond3A_186 = arith.constant 0 : i32
      %cond3A_187 = arith.cmpi ne, %convert_element_type3A_185, %cond3A_186 : i32
      scf.if %cond3A_187 {
        %add3A_238 = arith.constant 4 : i32
        %add3A_239 = arith.addi %add3A_141, %add3A_238 : i32
        %mul3A_240 = arith.constant 8 : i32
        %mul3A_241 = arith.muli %add3A_239, %mul3A_240 : i32
        %dma_start3A_242 = tpu.memref_slice %arg5[%mul3A_241] : memref<512xi32, #tpu.memory_space<vmem>> -> memref<8xi32, #tpu.memory_space<vmem>>
        %dma_start3A_243 = arith.constant 0 : i32
        %dma_start3A_244 = arith.constant 0 : i32
        %dma_start3A_245 = tpu.memref_slice %arg3[%dma_start3A_243, %dma_start3A_244] : memref<100000x2048xf32, #tpu.memory_space<hbm>> -> memref<100000x2048xf32, #tpu.memory_space<hbm>>
        tpu.enqueue_indirect_dma source(%dma_start3A_245 : memref<100000x2048xf32, #tpu.memory_space<hbm>>) target(%arg8 : memref<8x2048xf32, #tpu.memory_space<vmem>>) offsets(%dma_start3A_242 : memref<8xi32, #tpu.memory_space<vmem>>) semaphore(%arg13 : memref<!tpu.dma_semaphore, #tpu.memory_space<semaphore_mem>>)
      } else {
      }
      %mul3A_188 = arith.constant 4 : i32
      %mul3A_189 = arith.muli %scan3A_42, %mul3A_188 : i32
      %add3A_190 = arith.constant 3 : i32
      %add3A_191 = arith.addi %mul3A_189, %add3A_190 : i32
      %dma_wait3A_192 = arith.constant 0 : i32
      %dma_wait3A_193 = arith.constant 0 : i32
      %dma_wait3A_194 = tpu.memref_slice %arg3[%dma_wait3A_192, %dma_wait3A_193] : memref<100000x2048xf32, #tpu.memory_space<hbm>> -> memref<8x2048xf32, #tpu.memory_space<hbm>>
      %dma_wait3A_195 = arith.constant 0 : i32
      %dma_wait3A_196 = arith.constant 0 : i32
      %dma_wait3A_197 = tpu.memref_slice %arg3[%dma_wait3A_195, %dma_wait3A_196] : memref<100000x2048xf32, #tpu.memory_space<hbm>> -> memref<8x2048xf32, #tpu.memory_space<hbm>>
      tpu.wait_dma2 semaphore(%arg14 : memref<!tpu.dma_semaphore, #tpu.memory_space<semaphore_mem>>) src(%dma_wait3A_197 : memref<8x2048xf32, #tpu.memory_space<hbm>>) dst(%arg9 : memref<8x2048xf32, #tpu.memory_space<vmem>>)
      %gt3A_198 = arith.constant 0 : i32
      %gt3A_199 = arith.cmpi sgt, %scan3A_42, %gt3A_198 : i32
      %or3A_200 = arith.constant true
      %or3A_201 = arith.ori %gt3A_199, %or3A_200 : i1
      %convert_element_type3A_202 = arith.extui %or3A_201 : i1 to i32
      %cond3A_203 = arith.constant 0 : i32
      %cond3A_204 = arith.cmpi ne, %convert_element_type3A_202, %cond3A_203 : i32
      scf.if %cond3A_204 {
        %dma_wait3A_238 = arith.constant 1 : i32
        %dma_wait3A_239 = arith.constant 0 : i32
        %dma_wait3A_240 = arith.constant 0 : i32
        %dma_wait3A_241 = tpu.memref_slice %arg4[%dma_wait3A_239, %dma_wait3A_240] : memref<16384x2048xf32, #tpu.memory_space<hbm>> -> memref<8x2048xf32, #tpu.memory_space<hbm>>
        %dma_wait3A_242 = arith.constant 0 : i32
        %dma_wait3A_243 = arith.constant 0 : i32
        %dma_wait3A_244 = tpu.memref_slice %arg10[%arg1, %dma_wait3A_238, %dma_wait3A_242, %dma_wait3A_243] : memref<16x2x8x2048xf32, #tpu.memory_space<vmem_shared>> -> memref<1x1x8x2048xf32, #tpu.memory_space<vmem_shared>>
        %dma_wait3A_245 = tpu.memref_squeeze %dma_wait3A_244 : memref<1x1x8x2048xf32, #tpu.memory_space<vmem_shared>> -> memref<8x2048xf32, #tpu.memory_space<vmem_shared>>
        tpu.wait_dma2 semaphore(%arg20 : memref<!tpu.dma_semaphore, #tpu.memory_space<semaphore_mem>>) src(%dma_wait3A_245 : memref<8x2048xf32, #tpu.memory_space<vmem_shared>>) dst(%dma_wait3A_241 : memref<8x2048xf32, #tpu.memory_space<hbm>>)
      } else {
      }
      %dma_start3A_205 = arith.constant 1 : i32
      %dma_start3A_206 = arith.constant 0 : i32
      %dma_start3A_207 = arith.constant 0 : i32
      %dma_start3A_208 = tpu.memref_slice %arg10[%arg1, %dma_start3A_205, %dma_start3A_206, %dma_start3A_207] : memref<16x2x8x2048xf32, #tpu.memory_space<vmem_shared>> -> memref<1x1x8x2048xf32, #tpu.memory_space<vmem_shared>>
      %dma_start3A_209 = tpu.memref_squeeze %dma_start3A_208 : memref<1x1x8x2048xf32, #tpu.memory_space<vmem_shared>> -> memref<8x2048xf32, #tpu.memory_space<vmem_shared>>
      %dma_start3A_210 = arith.constant 0 : i32
      %dma_start3A_211 = arith.constant 0 : i32
      %dma_start3A_212 = tpu.memref_slice %arg10[%arg1, %dma_start3A_205, %dma_start3A_210, %dma_start3A_211] : memref<16x2x8x2048xf32, #tpu.memory_space<vmem_shared>> -> memref<1x1x8x2048xf32, #tpu.memory_space<vmem_shared>>
      %dma_start3A_213 = tpu.memref_squeeze %dma_start3A_212 : memref<1x1x8x2048xf32, #tpu.memory_space<vmem_shared>> -> memref<8x2048xf32, #tpu.memory_space<vmem_shared>>
      tpu.enqueue_dma source(%arg9 : memref<8x2048xf32, #tpu.memory_space<vmem>>) target(%dma_start3A_213 : memref<8x2048xf32, #tpu.memory_space<vmem_shared>>) target_semaphore(%arg18 : memref<!tpu.dma_semaphore, #tpu.memory_space<semaphore_mem>>)
      %dma_wait3A_214 = arith.constant 1 : i32
      %dma_wait3A_215 = arith.constant 0 : i32
      %dma_wait3A_216 = arith.constant 0 : i32
      %dma_wait3A_217 = tpu.memref_slice %arg10[%arg1, %dma_wait3A_214, %dma_wait3A_215, %dma_wait3A_216] : memref<16x2x8x2048xf32, #tpu.memory_space<vmem_shared>> -> memref<1x1x8x2048xf32, #tpu.memory_space<vmem_shared>>
      %dma_wait3A_218 = tpu.memref_squeeze %dma_wait3A_217 : memref<1x1x8x2048xf32, #tpu.memory_space<vmem_shared>> -> memref<8x2048xf32, #tpu.memory_space<vmem_shared>>
      %dma_wait3A_219 = arith.constant 0 : i32
      %dma_wait3A_220 = arith.constant 0 : i32
      %dma_wait3A_221 = tpu.memref_slice %arg10[%arg1, %dma_wait3A_214, %dma_wait3A_219, %dma_wait3A_220] : memref<16x2x8x2048xf32, #tpu.memory_space<vmem_shared>> -> memref<1x1x8x2048xf32, #tpu.memory_space<vmem_shared>>
      %dma_wait3A_222 = tpu.memref_squeeze %dma_wait3A_221 : memref<1x1x8x2048xf32, #tpu.memory_space<vmem_shared>> -> memref<8x2048xf32, #tpu.memory_space<vmem_shared>>
      tpu.wait_dma2 semaphore(%arg18 : memref<!tpu.dma_semaphore, #tpu.memory_space<semaphore_mem>>) src(%arg9 : memref<8x2048xf32, #tpu.memory_space<vmem>>) dst(%dma_wait3A_222 : memref<8x2048xf32, #tpu.memory_space<vmem_shared>>)
      %mul3A_223 = arith.constant 8 : i32
      %mul3A_224 = arith.muli %add3A_191, %mul3A_223 : i32
      %add3A_225 = arith.addi %mul3A_2, %mul3A_224 : i32
      %dma_start3A_226 = arith.constant 1 : i32
      %dma_start3A_227 = arith.constant 0 : i32
      %dma_start3A_228 = tpu.memref_slice %arg4[%add3A_225, %dma_start3A_227] : memref<16384x2048xf32, #tpu.memory_space<hbm>> -> memref<8x2048xf32, #tpu.memory_space<hbm>>
      %dma_start3A_229 = arith.constant 0 : i32
      %dma_start3A_230 = arith.constant 0 : i32
      %dma_start3A_231 = tpu.memref_slice %arg10[%arg1, %dma_start3A_226, %dma_start3A_229, %dma_start3A_230] : memref<16x2x8x2048xf32, #tpu.memory_space<vmem_shared>> -> memref<1x1x8x2048xf32, #tpu.memory_space<vmem_shared>>
      %dma_start3A_232 = tpu.memref_squeeze %dma_start3A_231 : memref<1x1x8x2048xf32, #tpu.memory_space<vmem_shared>> -> memref<8x2048xf32, #tpu.memory_space<vmem_shared>>
      tpu.enqueue_dma source(%dma_start3A_232 : memref<8x2048xf32, #tpu.memory_space<vmem_shared>>) target(%dma_start3A_228 : memref<8x2048xf32, #tpu.memory_space<hbm>>) target_semaphore(%arg20 : memref<!tpu.dma_semaphore, #tpu.memory_space<semaphore_mem>>)
      %lt3A_233 = arith.constant 15 : i32
      %lt3A_234 = arith.cmpi slt, %scan3A_42, %lt3A_233 : i32
      %convert_element_type3A_235 = arith.extui %lt3A_234 : i1 to i32
      %cond3A_236 = arith.constant 0 : i32
      %cond3A_237 = arith.cmpi ne, %convert_element_type3A_235, %cond3A_236 : i32
      scf.if %cond3A_237 {
        %add3A_238 = arith.constant 4 : i32
        %add3A_239 = arith.addi %add3A_191, %add3A_238 : i32
        %mul3A_240 = arith.constant 8 : i32
        %mul3A_241 = arith.muli %add3A_239, %mul3A_240 : i32
        %dma_start3A_242 = tpu.memref_slice %arg5[%mul3A_241] : memref<512xi32, #tpu.memory_space<vmem>> -> memref<8xi32, #tpu.memory_space<vmem>>
        %dma_start3A_243 = arith.constant 0 : i32
        %dma_start3A_244 = arith.constant 0 : i32
        %dma_start3A_245 = tpu.memref_slice %arg3[%dma_start3A_243, %dma_start3A_244] : memref<100000x2048xf32, #tpu.memory_space<hbm>> -> memref<100000x2048xf32, #tpu.memory_space<hbm>>
        tpu.enqueue_indirect_dma source(%dma_start3A_245 : memref<100000x2048xf32, #tpu.memory_space<hbm>>) target(%arg9 : memref<8x2048xf32, #tpu.memory_space<vmem>>) offsets(%dma_start3A_242 : memref<8xi32, #tpu.memory_space<vmem>>) semaphore(%arg14 : memref<!tpu.dma_semaphore, #tpu.memory_space<semaphore_mem>>)
      } else {
      }
    }
    %scan3A_26 = arith.constant 16 : i32
    %dma_wait3A = arith.constant 0 : i32
    %dma_wait3A_27 = arith.constant 0 : i32
    %dma_wait3A_28 = arith.constant 0 : i32
    %dma_wait3A_29 = tpu.memref_slice %arg4[%dma_wait3A_27, %dma_wait3A_28] : memref<16384x2048xf32, #tpu.memory_space<hbm>> -> memref<8x2048xf32, #tpu.memory_space<hbm>>
    %dma_wait3A_30 = arith.constant 0 : i32
    %dma_wait3A_31 = arith.constant 0 : i32
    %dma_wait3A_32 = tpu.memref_slice %arg10[%arg1, %dma_wait3A, %dma_wait3A_30, %dma_wait3A_31] : memref<16x2x8x2048xf32, #tpu.memory_space<vmem_shared>> -> memref<1x1x8x2048xf32, #tpu.memory_space<vmem_shared>>
    %dma_wait3A_33 = tpu.memref_squeeze %dma_wait3A_32 : memref<1x1x8x2048xf32, #tpu.memory_space<vmem_shared>> -> memref<8x2048xf32, #tpu.memory_space<vmem_shared>>
    tpu.wait_dma2 semaphore(%arg19 : memref<!tpu.dma_semaphore, #tpu.memory_space<semaphore_mem>>) src(%dma_wait3A_33 : memref<8x2048xf32, #tpu.memory_space<vmem_shared>>) dst(%dma_wait3A_29 : memref<8x2048xf32, #tpu.memory_space<hbm>>)
    %dma_wait3A_34 = arith.constant 1 : i32
    %dma_wait3A_35 = arith.constant 0 : i32
    %dma_wait3A_36 = arith.constant 0 : i32
    %dma_wait3A_37 = tpu.memref_slice %arg4[%dma_wait3A_35, %dma_wait3A_36] : memref<16384x2048xf32, #tpu.memory_space<hbm>> -> memref<8x2048xf32, #tpu.memory_space<hbm>>
    %dma_wait3A_38 = arith.constant 0 : i32
    %dma_wait3A_39 = arith.constant 0 : i32
    %dma_wait3A_40 = tpu.memref_slice %arg10[%arg1, %dma_wait3A_34, %dma_wait3A_38, %dma_wait3A_39] : memref<16x2x8x2048xf32, #tpu.memory_space<vmem_shared>> -> memref<1x1x8x2048xf32, #tpu.memory_space<vmem_shared>>
    %dma_wait3A_41 = tpu.memref_squeeze %dma_wait3A_40 : memref<1x1x8x2048xf32, #tpu.memory_space<vmem_shared>> -> memref<8x2048xf32, #tpu.memory_space<vmem_shared>>
    tpu.wait_dma2 semaphore(%arg20 : memref<!tpu.dma_semaphore, #tpu.memory_space<semaphore_mem>>) src(%dma_wait3A_41 : memref<8x2048xf32, #tpu.memory_space<vmem_shared>>) dst(%dma_wait3A_37 : memref<8x2048xf32, #tpu.memory_space<hbm>>)
    return
  }
}

</mosaic_0001>

<sc_bundles>
// kernel: kernel.3.cloned.1.call-start
scs
__scs_entry_jumppad:
0x0: {  	(pc) =	sbr.rel $0x88, $3  }
0x1: {  	(tag) =	ssettag $0x0;
	lr =	simm.s32 $0x1  }
0x2: {  	[smem:$0x3F9F] =	sst lr;
	_ =	strace $0xD0000000  }
0x3: {  	_ = 	snop  }
0x4: {  	_ = 	snop  }
0x5: {  	_ = 	snop  }
0x6: {  	_ = 	snop  }
0x7: {  	_ = 	snop  }
__scs_overlays_trampoline_lowered:
0x8: {  	[smem:$0x3FAE] =	sst s0  }
0x9: {  	[smem:$0x3FAF] =	sst s1  }
0xa: {  	[smem:$0x3FB0] =	sst s2  }
0xb: {  	[smem:$0x3FB1] =	sst s3  }
0xc: {  	[smem:$0x3FB2] =	sst s4  }
0xd: {  	[smem:$0x3FB3] =	sst s5  }
0xe: {  	[smem:$0x3FB4] =	sst s6  }
0xf: {  	[smem:$0x3FB5] =	sst s7  }
0x10: {  	[smem:$0x3FB6] =	sst s8  }
0x11: {  	[smem:$0x3FB7] =	sst s9;
	s0 =	simm.s32 @!p0 $0x0  }
0x12: {  	s1 =	sld [smem:$0x3F9D];
	s0 =	simm.s32 @p0 $0x1  }
0x13: {  	[smem:$0x3FB8] =	sst s0;
	s0 =	simm.s32 @!p1 $0x0  }
0x14: {  	s2 =	sld [smem:$0x3F9C];
	s0 =	simm.s32 @p1 $0x1  }
0x15: {  	[smem:$0x3FB9] =	sst s0;
	s0 =	simm.s32 @!p2 $0x0  }
0x16: {  	s3 =	sld [smem:$0x3FDB];
	s0 =	simm.s32 @p2 $0x1  }
0x17: {  	s4 =	simm.s32 $0x1BF5;
	[smem:$0x3FBB] =	sst s0  }
0x18: {  	s0 =	sld [smem:$0x3F9E];
	_ =	swait.ge [sflag:s4], $0x0  }
0x19: {  	s7 =	sld [smem:$0x3F9F]  }
0x1a: {  	s8 =	sadd.s32 $0xFFFFE003, lr  }
0x1b: {  	s9 =	sadd.s32 $0xFFFFFEF7, lr;
	s5 =	simm.s32 $0xFFFFFFFF;
	p2 =	slt.u32 s8, $0xFFFFF086  }
0x1c: {  	p1 =	slt.u32 s9, $0xF7A;
	s5 =	simm.s32 @!p2 $0x0  }
0x1d: {  	s5 =	simm.s32 @p1 $0x1;
	p0 =	seq.s32 s7, s2  }
0x1e: {  	s7 =	smul.u32 @!p0 $0xF7A, s2;
	p2 =	seq.s32 @!p0 s5, $0x0  }
0x1f: {  	s9 =	smul.u32 $0xF7A, s1;
	s8 =	simm.s32 @!p0 $0x1BF5;
	p2 =	por !p2, p0  }
0x20: {  	[sflag:s8] =	ssyncset.s32 @!p0 $0xFFFFF086;
	s6 =	sadd.s32 @!p0 s3, s7;
	s7 =	simm.s32 @!p0 $0x108  }
0x21: {  	s3 =	sadd.s32 s3, s9;
	s6 =	sadd.s32 @!p0 $0x88, s6;
	s7 =	simm.s32 @p2 $0x1082  }
0x22: {  	[simem:s7], [sflag:s8] =	dma.local @!p0 [hbm:s6], $0xF7A  }
0x23: {  	s9 =	sor.u32 $0xD0000000, s2;
	s6 =	simm.s32 $0x108;
	_ =	swait.ge @!p0 [sflag:s8], $0x0  }
0x24: {  	s3 =	sadd.s32 $0x88, s3;
	s6 =	simm.s32 @!p1 $0x1082;
	[sflag:s4] =	ssyncset.s32 $0xFFFFF086  }
0x25: {  	[simem:s6], [sflag:s4] =	dma.local [hbm:s3], $0xF7A  }
0x26: {  	[smem:$0x3F9F] =	sst s1;
	(tag) =	ssettag s2;
	_ =	strace s9  }
0x27: {  	s1 =	sld [smem:$0x3FAF]  }
0x28: {  	s2 =	sld [smem:$0x3FB0]  }
0x29: {  	s4 =	sld [smem:$0x3FB2]  }
0x2a: {  	p0 =	seq.s32 s5, $0x0;
	s5 =	sld [smem:$0x3FB3]  }
0x2b: {  	s6 =	sld [smem:$0x3FB4]  }
0x2c: {  	s7 =	sld [smem:$0x3FB5]  }
0x2d: {  	s3 =	simm.s32 $0x108;
	s8 =	sld [smem:$0x3FB6]  }
0x2e: {  	s3 =	simm.s32 @!p0 $0x1082;
	s9 =	sld [smem:$0x3FB7]  }
0x2f: {  	lr =	sadd.s32 s0, s3;
	s0 =	sld [smem:$0x3FAE]  }
0x30: {  	s3 =	sld [smem:$0x3FB1]  }
0x31: {  	[smem:$0x3FBA] =	sst s10  }
0x32: {  	s10 =	sld [smem:$0x3FB8];
	_ =	sdelay $0x3  }
0x33: {  	p0 =	seq.s32 s10, $0x1;
	s10 =	sld [smem:$0x3FBA];
	_ =	sdelay $0x3  }
0x34: {  	[smem:$0x3FBA] =	sst s10  }
0x35: {  	s10 =	sld [smem:$0x3FB9];
	_ =	sdelay $0x3  }
0x36: {  	p1 =	seq.s32 s10, $0x1;
	s10 =	sld [smem:$0x3FBA];
	_ =	sdelay $0x3  }
0x37: {  	[smem:$0x3FBA] =	sst s10  }
0x38: {  	s10 =	sld [smem:$0x3FBB]  }
0x39: {  	_ = 	snop;
	(pc) =	sbr.ind lr, $3  }
0x3a: {  	_ = 	snop  }
0x3b: {  	_ = 	snop  }
0x3c: {  	p2 =	seq.s32 s10, $0x1;
	s10 =	sld [smem:$0x3FBA]  }
0x3d: {  	_ =	shalt  }
0x3e: {  	_ =	shalt  }
0x3f: {  	_ =	shalt  }
0x40: {  	_ =	shalt  }
0x41: {  	_ =	shalt  }
0x42: {  	_ =	shalt  }
0x43: {  	_ =	shalt  }
0x44: {  	_ =	shalt  }
0x45: {  	_ =	shalt  }
0x46: {  	_ =	shalt  }
0x47: {  	_ =	shalt  }
0x48: {  	_ =	shalt  }
0x49: {  	_ =	shalt  }
0x4a: {  	_ =	shalt  }
0x4b: {  	_ =	shalt  }
0x4c: {  	_ =	shalt  }
0x4d: {  	_ =	shalt  }
0x4e: {  	_ =	shalt  }
0x4f: {  	_ =	shalt  }
0x50: {  	_ =	shalt  }
0x51: {  	_ =	shalt  }
0x52: {  	_ =	shalt  }
0x53: {  	_ =	shalt  }
0x54: {  	_ =	shalt  }
0x55: {  	_ =	shalt  }
0x56: {  	_ =	shalt  }
0x57: {  	_ =	shalt  }
0x58: {  	_ =	shalt  }
0x59: {  	_ =	shalt  }
0x5a: {  	_ =	shalt  }
0x5b: {  	_ =	shalt  }
0x5c: {  	_ =	shalt  }
0x5d: {  	_ =	shalt  }
0x5e: {  	_ =	shalt  }
0x5f: {  	_ =	shalt  }
0x60: {  	_ =	shalt  }
0x61: {  	_ =	shalt  }
0x62: {  	_ =	shalt  }
0x63: {  	_ =	shalt  }
0x64: {  	_ =	shalt  }
0x65: {  	_ =	shalt  }
0x66: {  	_ =	shalt  }
0x67: {  	_ =	shalt  }
0x68: {  	_ =	shalt  }
0x69: {  	_ =	shalt  }
0x6a: {  	_ =	shalt  }
0x6b: {  	_ =	shalt  }
0x6c: {  	_ =	shalt  }
0x6d: {  	_ =	shalt  }
0x6e: {  	_ =	shalt  }
0x6f: {  	_ =	shalt  }
0x70: {  	_ =	shalt  }
0x71: {  	_ =	shalt  }
0x72: {  	_ =	shalt  }
0x73: {  	_ =	shalt  }
0x74: {  	_ =	shalt  }
0x75: {  	_ =	shalt  }
0x76: {  	_ =	shalt  }
0x77: {  	_ =	shalt  }
0x78: {  	_ =	shalt  }
0x79: {  	_ =	shalt  }
0x7a: {  	_ =	shalt  }
0x7b: {  	_ =	shalt  }
0x7c: {  	_ =	shalt  }
0x7d: {  	_ =	shalt  }
0x7e: {  	_ =	shalt  }
0x7f: {  	_ =	shalt  }
0x80: {  	_ =	shalt  }
0x81: {  	_ =	shalt  }
0x82: {  	_ =	shalt  }
0x83: {  	_ =	shalt  }
0x84: {  	_ =	shalt  }
0x85: {  	_ =	shalt  }
0x86: {  	_ =	shalt  }
0x87: {  	_ =	shalt  }
.Lfunc_end0:
.L_simem_size_0:
called_computation_lowered:
.L_overlay_start_0:
0x88: {  	s2 =	sld [smem:$0x3FD9]  }
0x89: {  	s3 =	sld [smem:$0x3FFE];
	_ =	sdelay $0x1  }
0x8a: {  	s1 =	srdreg.scid  }
0x8b: {  	s0 =	sand.u32 $0x1, s1  }
0x8c: {  	s17 =	sshll.u32 s0, $0xA;
	s2 =	sadd.s32 s3, s2  }
0x8d: {  	s2 =	sadd.s32 s2, s17  }
0x8e: {  	[smem:$0x3FC6] =	sst s2  }
0x8f: {  	_ = 	snop  }
0x90: {  	s2 =	sld [smem:$0x3FC8]  }
0x91: {  	s18 =	sld [smem:$0x3FD0];
	(tm) =	ssettm $0x1  }
0x92: {  	s4 =	sld [smem:$0x3FFB];
	_ =	sdelay $0x3  }
0x93: {  	_ =	strace s4  }
0x94: {  	s4 =	sld [smem:$0x3FFC];
	_ =	sdelay $0x3  }
0x95: {  	_ =	strace s4  }
0x96: {  	s4 =	sld [smem:$0x3FFD];
	_ =	sdelay $0x3  }
0x97: {  	_ =	strace s4  }
0x98: {  	_ =	strace $0x8FFFFFFF  }
0x99: {  	s19 =	sld [smem:$0x3FDB];
	_ =	sdelay $0x1  }
0x9a: {  	s5 =	simm.s32 $_scs_section_size  }
0x9b: {  	s6 =	simm.s32 $_size__tile_overlayer_lowered;
	s7 =	simm.s32 $_tile_overlayer_lowered  }
0x9c: {  	s22 =	simm.s32 $0x1BFF;
	s21 =	sshll.u32 s7, $0x1;
	s4 =	sadd.s32 s5, s19  }
0x9d: {  	s8 =	simm.s32 $0x0;
	s20 =	sshll.u32 s6, $0x1;
	s6 =	sadd.s32 s21, s4  }
0x9e: {  	[timem:s8], [sflag:s22] =	dma.local [hbm:s6], s20  }
0x9f: {  	_ =	swait.ge [sflag:s22], s20  }
0xa0: {  	s5 =	ssub.s32 $0x0, s20;
	[sflag:s22] =	ssyncset.done $0x0  }
0xa1: {  	[sflag:s22] =	ssyncadd.s32 s5;
	_ =	sdelay $0x1  }
0xa2: {  	s23 =	simm.s32 $0x1B8B  }
0xa3: {  	_ =	swait.ge [sflag:s23], $0x1  }
0xa4: {  	[sflag:s23] =	ssyncset.done $0x0  }
0xa5: {  	s25 =	simm.s32 $0x1B8E;
	s24 =	sld [smem:$0x3FFE];
	[sflag:s23] =	ssyncadd.s32 $0xFFFFFFFF  }
0xa6: {  	s26 =	simm.s32 $execute0_lowered;
	[smem:$0x3FD2] =	sst s25  }
0xa7: {  	s6 =	sshll.u32 s26, $0x1;
	_ =	strace $0x80000046;
	[dreg:$0x1] =	wrdreg $0xFFFFFFFF  }
0xa8: {  	s28 =	simm.s32 $_size_execute0_lowered;
	s4 =	sadd.s32 s4, s6;
	[dreg:$0x0] =	wrdreg $0x0  }
0xa9: {  	s6 =	sshll.u32 s28, $0x1;
	[dreg:$0x2] =	wrdreg s4  }
0xaa: {  	[dreg:$0x3] =	wrdreg s6  }
0xab: {  	[dreg:$0x4] =	wrdreg $0xC0  }
0xac: {  	_ =	task [dreg:s8], $0x5FFFF  }
0xad: {  	[dreg:$0x1] =	wrdreg $0xFFFFFFFF  }
0xae: {  	[dreg:$0x0] =	wrdreg $0x60  }
0xaf: {  	[dreg:$0x2] =	wrdreg s24  }
0xb0: {  	[dreg:$0x3] =	wrdreg s2  }
0xb1: {  	[dreg:$0x4] =	wrdreg s18  }
0xb2: {  	[dreg:$0x5] =	wrdreg $0x102000  }
0xb3: {  	[dreg:$0x6] =	wrdreg $0x9  }
0xb4: {  	_ =	task.clear_ibuf [dreg:s8], $0x7FFFF;
	_ =	strace $0x90000046  }
0xb5: {  	s29 =	simm.s32 $0x9;
	_ =	strace $0x80000048  }
0xb6: {  	_ =	swait.ge [sflag:s29], $0x1  }
0xb7: {  	[sflag:s29] =	ssyncadd.s32 $0xFFFFFFFF  }
0xb8: {  	_ =	strace $0x90000048  }
0xb9: {  	_ =	sfence  }
0xba: {  	s30 =	sld [smem:$0x0];
	_ =	sdelay $0x2  }
0xbb: {  	s31 =	sshll.u32 s1, $0xD;
	s1 =	sshrl.u32 s1, $0x2  }
0xbc: {  	s3 =	sand.u32 $0x4000, s31;
	s1 =	sadd.s32 s1, s30  }
0xbd: {  	s0 =	sor.u32 s3, s0;
	s1 =	sshll.u32 s1, $0x11  }
0xbe: {  	s0 =	sor.u32 s1, s0  }
0xbf: {  	s0 =	sadd.s32 $0x8F2B, s0  }
0xc0: {  	[sflag:s0] =	ssyncadd.remote.s32 $0x1  }
0xc1: {  	_ =	sfence.sel $0xFFFF  }
0xc2: {  	[dreg:$0x0] =	wrdreg $0xFFFFFFFF;
	(pc) =	sbr.abs _section_cstart, $3  }
0xc3: {  	[dreg:$0x1] =	wrdreg $0xFFFFFFFF  }
0xc4: {  	_ =	task.clear_ibuf [dreg:s8], $0x2FFFF;
	_ =	strace $0x9FFFFFFF  }
0xc5: {  	(tm) =	ssettm $0x7FFFFFFF  }
tec
execute0_lowered:
.L_overlay_start_1:
0x0: {  	(tag) =	ssettag $0x1  }
0x1: {  	s0 =	rddreg [dreg:$0x0]  }
0x2: {  	s2 =	rddreg [dreg:$0x1]  }
0x3: {  	s1 =	rddreg [dreg:$0x2];
	s3 =	srdreg.scid  }
0x4: {  	s4 =	rddreg [dreg:$0x3];
	s16 =	stileid.u32  }
0x5: {  	s31 =	simm.s32 $0xC200;
	s18 =	simm.s32 $0x1;
	s19 =	simm.s32 $0x5  }
0x6: {  	s20 =	simm.s32 $0x2;
	s21 =	simm.s32 $0xA;
	s22 =	simm.s32 $0x6  }
0x7: {  	s23 =	simm.s32 $0x3;
	s28 =	simm.s32 $0x8;
	s14 =	sand.u32 $0x1, s3  }
0x8: {  	s5 =	sshll.u32 s16, $0xA;
	s3 =	simm.s32 $0x0;
	s8 =	sadd.s32 $0x400, s2  }
0x9: {  	s25 =	sshll.u32 s16, $0xF;
	s9 =	sadd.s32 $0x500, s2;
	s10 =	sadd.s32 $0x600, s2  }
0xa: {  	s12 =	sadd.s32 $0x700, s2;
	s26 =	sshll.u32 s16, $0x12;
	s6 =	sshll.u32 s14, $0x9  }
0xb: {  	s24 =	ssub.s32 $0x2, s14;
	[smem:$0x7FF] =	sst s3;
	s11 =	sadd.s32 s25, s4  }
0xc: {  	s30 =	sshll.u32 s14, $0x11;
	s25 =	simm.s32 $0x4;
	s4 =	simm.s32 $0x0  }
0xd: {  	s5 =	sor.u32 s6, s5;
	s7 =	sshrl.u32 s24, $0x1;
	_ =	strace $0x80000047  }
0xe: {  	s6 =	sadd.s32 $0x200, s2;
	s13 =	sadd.s32 $0x4000, s11;
	s5 =	sshrl.u32 s5, $0x3  }
.Ltmp0:
0xf: {  	s15 =	ssub.s32 s24, s7;
	s0 =	sadd.s32 s5, s0;
	(pc) =	sbr.rel .LBB2_1-.Ltmp0, $4  }
0x10: {  	s7 =	sadd.s32 $0x300, s2;
	s24 =	simm.s32 $0x9;
	s0 =	sadd.s32 $0x400, s0  }
0x11: {  	v0 =	vlaneseq.u32;
	s29 =	smax.u32 s15, $0x1;
	[dreg:$0x5] =	wrdreg s0;
	s0 =	sadd.s32 s26, s1  }
0x12: {  	v1 =	vshrl.u32 v0, $0x3;
	s5 =	sadd.s32 $0x100, s2;
	[dreg:$0x6] =	wrdreg s29;
	s0 =	sadd.s32 s30, s0  }
0x13: {  	vm0 =	vmmov $0xffff;
	v0 =	vand.u32 $0x7, v0;
	v1 =	vmul.u32 $0x8, v1;
	s15 =	simm.s32 $0x200;
	s1 =	simm.s32 $0x7;
	[dreg:$0x7] =	wrdreg s0  }
.LBB2_8:
0x14: {  	_ =	swait.ge [sflag:s24], $0x800  }
0x15: {  	[sflag:s24] =	ssyncset.done $0x0  }
0x16: {  	[sflag:s24] =	ssyncadd.s32 $0xFFFFF800  }
0x17: {  	_ =	swait.ge [sflag:s21], $0x800  }
0x18: {  	s4 =	rddreg [dreg:$0x8]  }
0x19: {  	s0 =	rddreg [dreg:$0x6];
	s4 =	sadd.s32 $0x1, s4  }
0x1a: {  	p0 =	sne.s32 s4, s0  }
.Ltmp1:
0x1b: {  	_ = 	snop;
	(pc) =	sbr.rel @!p0 .LBB2_9-.Ltmp1, $3  }
0x1c: {  	_ =	sdelay $0x1  }
0x1d: {  	[sflag:s21] =	ssyncset.done $0x0  }
0x1e: {  	s15 =	simm.s32 $0x200;
	[sflag:s21] =	ssyncadd.s32 $0xFFFFF800  }
.LBB2_1:
0x1f: {  	[dreg:$0x8] =	wrdreg s4  }
0x20: {  	s0 =	rddreg [dreg:$0x5];
	s26 =	simm.s32 $0xB  }
0x21: {  	[tilespmem:s3], [sflag:$0xB] =	stream.linear.gather [hbm4b:s0+s3], $0x200, $0x38;
	[tilespmem:$0x18200] =	vst v63  }
0x22: {  	_ =	swait.ge [sflag:s26], $0x200  }
0x23: {  	[sflag:s26] =	ssyncset.done $0x0  }
0x24: {  	[sflag:s26] =	ssyncadd.s32 $0xFFFFFE00  }
0x25: {  	v2 =	vld.msk [tilespmem:$0x0], $0xff;
	_ =	sdelay $0x4  }
0x26: {  	v3 =	vshll.u32 v2, $0x4  }
0x27: {  	v2 =	vand.u32 $0x7, v2;
	v3 =	vand.u32 $0xFFFFFF80, v3  }
0x28: {  	v2 =	vor.u32 v2, v3  }
0x29: {  	v2 =	vperm.xlane v2, v0;
	_ =	sdelay $0x1  }
0x2a: {  	v2 =	vadd.s32 v1, v2;
	_ =	sdelay $0x4  }
0x2b: {  	[tilespmem:s15], [sflag:$0x1] =	stream.indirect_vreg.gather [hbm4b:s2+s3], $0x80, v2, vm0, $0xb8;
	[tilespmem:$0x18200] =	vst v63  }
0x2c: {  	s29 =	simm.s32 $0xA00  }
0x2d: {  	[tilespmem:s29], [sflag:$0x1] =	stream.indirect_vreg.gather [hbm4b:s5+s3], $0x80, v2, vm0, $0xb8;
	[tilespmem:$0x18200] =	vst v63  }
0x2e: {  	s30 =	simm.s32 $0x1200  }
0x2f: {  	[tilespmem:s30], [sflag:$0x1] =	stream.indirect_vreg.gather [hbm4b:s6+s3], $0x80, v2, vm0, $0xb8;
	[tilespmem:$0x18200] =	vst v63  }
0x30: {  	s4 =	simm.s32 $0x1A00  }
0x31: {  	[tilespmem:s4], [sflag:$0x1] =	stream.indirect_vreg.gather [hbm4b:s7+s3], $0x80, v2, vm0, $0xb8;
	[tilespmem:$0x18200] =	vst v63  }
0x32: {  	s14 =	simm.s32 $0x2200  }
0x33: {  	[tilespmem:s14], [sflag:$0x1] =	stream.indirect_vreg.gather [hbm4b:s8+s3], $0x80, v2, vm0, $0xb8;
	[tilespmem:$0x18200] =	vst v63  }
0x34: {  	s16 =	simm.s32 $0x2A00  }
0x35: {  	[tilespmem:s16], [sflag:$0x1] =	stream.indirect_vreg.gather [hbm4b:s9+s3], $0x80, v2, vm0, $0xb8;
	[tilespmem:$0x18200] =	vst v63  }
0x36: {  	s17 =	simm.s32 $0x3200  }
0x37: {  	[tilespmem:s17], [sflag:$0x1] =	stream.indirect_vreg.gather [hbm4b:s10+s3], $0x80, v2, vm0, $0xb8;
	[tilespmem:$0x18200] =	vst v63  }
0x38: {  	s26 =	simm.s32 $0x3A00  }
0x39: {  	[tilespmem:s26], [sflag:$0x1] =	stream.indirect_vreg.gather [hbm4b:s12+s3], $0x80, v2, vm0, $0xb8;
	[tilespmem:$0x18200] =	vst v63  }
0x3a: {  	v2 =	vld.msk [tilespmem:$0x8], $0xff;
	_ =	sdelay $0x4  }
0x3b: {  	v3 =	vshll.u32 v2, $0x4  }
0x3c: {  	v2 =	vand.u32 $0x7, v2;
	v3 =	vand.u32 $0xFFFFFF80, v3  }
0x3d: {  	v2 =	vor.u32 v2, v3  }
0x3e: {  	v2 =	vperm.xlane v2, v0;
	_ =	sdelay $0x1  }
0x3f: {  	v2 =	vadd.s32 v1, v2;
	_ =	sdelay $0x3  }
0x40: {  	s29 =	simm.s32 $0x4200  }
0x41: {  	[tilespmem:s29], [sflag:$0x2] =	stream.indirect_vreg.gather [hbm4b:s2+s3], $0x80, v2, vm0, $0xb8;
	[tilespmem:$0x18200] =	vst v63  }
0x42: {  	s30 =	simm.s32 $0x4A00  }
0x43: {  	[tilespmem:s30], [sflag:$0x2] =	stream.indirect_vreg.gather [hbm4b:s5+s3], $0x80, v2, vm0, $0xb8;
	[tilespmem:$0x18200] =	vst v63  }
0x44: {  	s4 =	simm.s32 $0x5200  }
0x45: {  	[tilespmem:s4], [sflag:$0x2] =	stream.indirect_vreg.gather [hbm4b:s6+s3], $0x80, v2, vm0, $0xb8;
	[tilespmem:$0x18200] =	vst v63  }
0x46: {  	s14 =	simm.s32 $0x5A00  }
0x47: {  	[tilespmem:s14], [sflag:$0x2] =	stream.indirect_vreg.gather [hbm4b:s7+s3], $0x80, v2, vm0, $0xb8;
	[tilespmem:$0x18200] =	vst v63  }
0x48: {  	s16 =	simm.s32 $0x6200  }
0x49: {  	[tilespmem:s16], [sflag:$0x2] =	stream.indirect_vreg.gather [hbm4b:s8+s3], $0x80, v2, vm0, $0xb8;
	[tilespmem:$0x18200] =	vst v63  }
0x4a: {  	s17 =	simm.s32 $0x6A00  }
0x4b: {  	[tilespmem:s17], [sflag:$0x2] =	stream.indirect_vreg.gather [hbm4b:s9+s3], $0x80, v2, vm0, $0xb8;
	[tilespmem:$0x18200] =	vst v63  }
0x4c: {  	s26 =	simm.s32 $0x7200  }
0x4d: {  	[tilespmem:s26], [sflag:$0x2] =	stream.indirect_vreg.gather [hbm4b:s10+s3], $0x80, v2, vm0, $0xb8;
	[tilespmem:$0x18200] =	vst v63  }
0x4e: {  	s29 =	simm.s32 $0x7A00  }
0x4f: {  	[tilespmem:s29], [sflag:$0x2] =	stream.indirect_vreg.gather [hbm4b:s12+s3], $0x80, v2, vm0, $0xb8;
	[tilespmem:$0x18200] =	vst v63  }
0x50: {  	v2 =	vld.msk [tilespmem:$0x10], $0xff;
	_ =	sdelay $0x4  }
0x51: {  	v3 =	vshll.u32 v2, $0x4  }
0x52: {  	v2 =	vand.u32 $0x7, v2;
	v3 =	vand.u32 $0xFFFFFF80, v3  }
0x53: {  	v2 =	vor.u32 v2, v3  }
0x54: {  	v2 =	vperm.xlane v2, v0;
	_ =	sdelay $0x1  }
0x55: {  	v2 =	vadd.s32 v1, v2;
	_ =	sdelay $0x3  }
0x56: {  	s30 =	simm.s32 $0x8200  }
0x57: {  	[tilespmem:s30], [sflag:$0x3] =	stream.indirect_vreg.gather [hbm4b:s2+s3], $0x80, v2, vm0, $0xb8;
	[tilespmem:$0x18200] =	vst v63  }
0x58: {  	s4 =	simm.s32 $0x8A00  }
0x59: {  	[tilespmem:s4], [sflag:$0x3] =	stream.indirect_vreg.gather [hbm4b:s5+s3], $0x80, v2, vm0, $0xb8;
	[tilespmem:$0x18200] =	vst v63  }
0x5a: {  	s14 =	simm.s32 $0x9200  }
0x5b: {  	[tilespmem:s14], [sflag:$0x3] =	stream.indirect_vreg.gather [hbm4b:s6+s3], $0x80, v2, vm0, $0xb8;
	[tilespmem:$0x18200] =	vst v63  }
0x5c: {  	s16 =	simm.s32 $0x9A00  }
0x5d: {  	[tilespmem:s16], [sflag:$0x3] =	stream.indirect_vreg.gather [hbm4b:s7+s3], $0x80, v2, vm0, $0xb8;
	[tilespmem:$0x18200] =	vst v63  }
0x5e: {  	s17 =	simm.s32 $0xA200  }
0x5f: {  	[tilespmem:s17], [sflag:$0x3] =	stream.indirect_vreg.gather [hbm4b:s8+s3], $0x80, v2, vm0, $0xb8;
	[tilespmem:$0x18200] =	vst v63  }
0x60: {  	s26 =	simm.s32 $0xAA00  }
0x61: {  	[tilespmem:s26], [sflag:$0x3] =	stream.indirect_vreg.gather [hbm4b:s9+s3], $0x80, v2, vm0, $0xb8;
	[tilespmem:$0x18200] =	vst v63  }
0x62: {  	s29 =	simm.s32 $0xB200  }
0x63: {  	[tilespmem:s29], [sflag:$0x3] =	stream.indirect_vreg.gather [hbm4b:s10+s3], $0x80, v2, vm0, $0xb8;
	[tilespmem:$0x18200] =	vst v63  }
0x64: {  	s30 =	simm.s32 $0xBA00  }
0x65: {  	[tilespmem:s30], [sflag:$0x3] =	stream.indirect_vreg.gather [hbm4b:s12+s3], $0x80, v2, vm0, $0xb8;
	[tilespmem:$0x18200] =	vst v63  }
0x66: {  	v2 =	vld.msk [tilespmem:$0x18], $0xff;
	_ =	sdelay $0x4  }
0x67: {  	v3 =	vshll.u32 v2, $0x4  }
0x68: {  	v2 =	vand.u32 $0x7, v2;
	v3 =	vand.u32 $0xFFFFFF80, v3  }
0x69: {  	v2 =	vor.u32 v2, v3  }
0x6a: {  	v2 =	vperm.xlane v2, v0;
	_ =	sdelay $0x1  }
0x6b: {  	v2 =	vadd.s32 v1, v2;
	_ =	sdelay $0x4  }
0x6c: {  	[tilespmem:s31], [sflag:$0x4] =	stream.indirect_vreg.gather [hbm4b:s2+s3], $0x80, v2, vm0, $0xb8;
	[tilespmem:$0x18200] =	vst v63  }
0x6d: {  	s4 =	simm.s32 $0xCA00  }
0x6e: {  	[tilespmem:s4], [sflag:$0x4] =	stream.indirect_vreg.gather [hbm4b:s5+s3], $0x80, v2, vm0, $0xb8;
	[tilespmem:$0x18200] =	vst v63  }
0x6f: {  	s14 =	simm.s32 $0xD200  }
0x70: {  	[tilespmem:s14], [sflag:$0x4] =	stream.indirect_vreg.gather [hbm4b:s6+s3], $0x80, v2, vm0, $0xb8;
	[tilespmem:$0x18200] =	vst v63  }
0x71: {  	s16 =	simm.s32 $0xDA00  }
0x72: {  	[tilespmem:s16], [sflag:$0x4] =	stream.indirect_vreg.gather [hbm4b:s7+s3], $0x80, v2, vm0, $0xb8;
	[tilespmem:$0x18200] =	vst v63  }
0x73: {  	s17 =	simm.s32 $0xE200  }
0x74: {  	[tilespmem:s17], [sflag:$0x4] =	stream.indirect_vreg.gather [hbm4b:s8+s3], $0x80, v2, vm0, $0xb8;
	[tilespmem:$0x18200] =	vst v63  }
0x75: {  	s26 =	simm.s32 $0xEA00  }
0x76: {  	[tilespmem:s26], [sflag:$0x4] =	stream.indirect_vreg.gather [hbm4b:s9+s3], $0x80, v2, vm0, $0xb8;
	[tilespmem:$0x18200] =	vst v63  }
0x77: {  	s29 =	simm.s32 $0xF200  }
0x78: {  	[tilespmem:s29], [sflag:$0x4] =	stream.indirect_vreg.gather [hbm4b:s10+s3], $0x80, v2, vm0, $0xb8;
	[tilespmem:$0x18200] =	vst v63  }
0x79: {  	s0 =	simm.s32 $0x38;
	s30 =	simm.s32 $0xFA00;
	s26 =	simm.s32 $0x0  }
0x7a: {  	[tilespmem:s30], [sflag:$0x4] =	stream.indirect_vreg.gather [hbm4b:s12+s3], $0x80, v2, vm0, $0xb8;
	[tilespmem:$0x18200] =	vst v63  }
.LBB2_2:
0x7b: {  	_ =	swait.ge [sflag:s18], $0x4000  }
0x7c: {  	p0 =	seq.s32 s26, $0x0;
	[sflag:s18] =	ssyncset.done $0x0  }
0x7d: {  	s4 =	simm.s32 @!p0 $0x9;
	[sflag:s18] =	ssyncadd.s32 $0xFFFFC000  }
0x7e: {  	_ =	swait.ge @!p0 [sflag:s4], $0x800  }
0x7f: {  	[sflag:s4] =	ssyncset.done @!p0 $0x0  }
0x80: {  	p1 =	sne.s32 s26, $0x1E000;
	[sflag:s4] =	ssyncadd.s32 @!p0 $0xFFFFF800  }
0x81: {  	[spmem:s11] =	stream.linear.scatter [tilespmem:s15], [sflag:$0x5], $0x4000, $0x38;
	[tilespmem:$0x18200] =	vst v63  }
.Ltmp2:
0x82: {  	s16 =	stileid.u32;
	(pc) =	sbr.rel @p1 .LBB2_4-.Ltmp2, $4  }
0x83: {  	s14 =	sshll.u32 s16, $0x6;
	_ =	swait.ge [sflag:s19], $0x4000  }
0x84: {  	s30 =	sor.u32 $0x1C09, s14;
	[sflag:s19] =	ssyncset.done $0x0;
	s17 =	rddreg [dreg:$0x7]  }
0x85: {  	s4 =	sshrl.u32 s11, $0x3;
	[sflag:s19] =	ssyncadd.s32 $0xFFFFC000;
	s29 =	sadd.s32 s26, s17  }
0x86: {  	[hbm:s29], [sflag:s30] =	dma.local [spmem:s4], $0x800  }
.Ltmp3:
0x87: {  	(pc) =	sbr.rel .LBB2_5-.Ltmp3, $4  }
0x88: {  	_ = 	snop  }
0x89: {  	_ =	swait.ge [sflag:s20], $0x4000  }
0x8a: {  	[sflag:s20] =	ssyncset.done $0x0  }
0x8b: {  	[sflag:s20] =	ssyncadd.s32 $0xFFFFC000  }
.LBB2_4:
0x8c: {  	v2 =	vld.msk [tilespmem:s0+$0xFFFFFFE8], $0xff;
	_ =	sdelay $0x4  }
0x8d: {  	v3 =	vshll.u32 v2, $0x4  }
0x8e: {  	v2 =	vand.u32 $0x7, v2;
	v3 =	vand.u32 $0xFFFFFF80, v3  }
0x8f: {  	v2 =	vor.u32 v2, v3  }
0x90: {  	v2 =	vperm.xlane v2, v0;
	_ =	sdelay $0x1  }
0x91: {  	v2 =	vadd.s32 v1, v2;
	_ =	sdelay $0x4  }
0x92: {  	[tilespmem:s15], [sflag:$0x1] =	stream.indirect_vreg.gather [hbm4b:s2+s3], $0x80, v2, vm0, $0xb8;
	[tilespmem:$0x18200] =	vst v63  }
0x93: {  	s17 =	simm.s32 $0xA00  }
0x94: {  	[tilespmem:s17], [sflag:$0x1] =	stream.indirect_vreg.gather [hbm4b:s5+s3], $0x80, v2, vm0, $0xb8;
	[tilespmem:$0x18200] =	vst v63  }
0x95: {  	s16 =	simm.s32 $0x1200  }
0x96: {  	[tilespmem:s16], [sflag:$0x1] =	stream.indirect_vreg.gather [hbm4b:s6+s3], $0x80, v2, vm0, $0xb8;
	[tilespmem:$0x18200] =	vst v63  }
0x97: {  	s17 =	simm.s32 $0x1A00  }
0x98: {  	[tilespmem:s17], [sflag:$0x1] =	stream.indirect_vreg.gather [hbm4b:s7+s3], $0x80, v2, vm0, $0xb8;
	[tilespmem:$0x18200] =	vst v63  }
0x99: {  	s16 =	simm.s32 $0x2200  }
0x9a: {  	[tilespmem:s16], [sflag:$0x1] =	stream.indirect_vreg.gather [hbm4b:s8+s3], $0x80, v2, vm0, $0xb8;
	[tilespmem:$0x18200] =	vst v63  }
0x9b: {  	s17 =	simm.s32 $0x2A00  }
0x9c: {  	[tilespmem:s17], [sflag:$0x1] =	stream.indirect_vreg.gather [hbm4b:s9+s3], $0x80, v2, vm0, $0xb8;
	[tilespmem:$0x18200] =	vst v63  }
0x9d: {  	s16 =	simm.s32 $0x3200  }
0x9e: {  	[tilespmem:s16], [sflag:$0x1] =	stream.indirect_vreg.gather [hbm4b:s10+s3], $0x80, v2, vm0, $0xb8;
	[tilespmem:$0x18200] =	vst v63  }
.Ltmp4:
0x9f: {  	s17 =	simm.s32 $0x3A00;
	(pc) =	sbr.rel @p0 .LBB2_6-.Ltmp4, $4  }
0xa0: {  	[tilespmem:s17], [sflag:$0x1] =	stream.indirect_vreg.gather [hbm4b:s12+s3], $0x80, v2, vm0, $0xb8;
	[tilespmem:$0x18200] =	vst v63  }
0xa1: {  	_ =	swait.ge [sflag:s20], $0x4000  }
0xa2: {  	[sflag:s20] =	ssyncset.done $0x0  }
0xa3: {  	[sflag:s20] =	ssyncadd.s32 $0xFFFFC000  }
.LBB2_5:
0xa4: {  	_ =	swait.ge [sflag:s21], $0x800  }
0xa5: {  	[sflag:s21] =	ssyncset.done $0x0  }
0xa6: {  	[sflag:s21] =	ssyncadd.s32 $0xFFFFF800  }
.LBB2_6:
0xa7: {  	s15 =	simm.s32 $0x4200  }
0xa8: {  	[spmem:s13] =	stream.linear.scatter [tilespmem:s15], [sflag:$0x6], $0x4000, $0x38;
	[tilespmem:$0x18200] =	vst v63  }
0xa9: {  	_ =	swait.ge [sflag:s22], $0x4000  }
0xaa: {  	p0 =	seq.s32 s26, $0x1E000;
	s17 =	sadd.s32 $0x800, s29;
	[sflag:s22] =	ssyncset.done $0x0  }
0xab: {  	s14 =	sor.u32 $0x1C0A, s14;
	s16 =	sshrl.u32 s13, $0x3;
	[sflag:s22] =	ssyncadd.s32 $0xFFFFC000  }
0xac: {  	[hbm:s17], [sflag:s14] =	dma.local [spmem:s16], $0x800  }
0xad: {  	v2 =	vld.msk @!p0 [tilespmem:s0+$0xFFFFFFF0], $0xff;
	_ =	sdelay $0x4  }
0xae: {  	v3 =	vshll.u32 @!p0 v2, $0x4  }
0xaf: {  	v4 =	vlaneseq.u32 @!p0;
	v2 =	vand.u32 @!p0 $0x7, v2;
	v3 =	vand.u32 @!p0 $0xFFFFFF80, v3  }
0xb0: {  	v2 =	vor.u32 @!p0 v2, v3;
	v3 =	vand.u32 @!p0 $0x7, v4;
	v4 =	vshrl.u32 @!p0 v4, $0x3  }
0xb1: {  	v2 =	vperm.xlane @!p0 v2, v3;
	v4 =	vmul.u32 @!p0 $0x8, v4;
	_ =	sdelay $0x1  }
0xb2: {  	v2 =	vadd.s32 @!p0 v4, v2;
	_ =	sdelay $0x3  }
0xb3: {  	vm1 =	vmmov @!p0 $0xffff;
	s15 =	simm.s32 @!p0 $0x4200;
	s17 =	simm.s32 @!p0 $0x0  }
0xb4: {  	[tilespmem:s15], [sflag:$0x2] =	stream.indirect_vreg.gather @!p0 [hbm4b:s2+s17], $0x80, v2, vm1, $0xb8;
	[tilespmem:$0x18200] =	vst v63  }
0xb5: {  	s15 =	simm.s32 @!p0 $0x4A00  }
0xb6: {  	[tilespmem:s15], [sflag:$0x2] =	stream.indirect_vreg.gather @!p0 [hbm4b:s5+s17], $0x80, v2, vm1, $0xb8;
	[tilespmem:$0x18200] =	vst v63  }
0xb7: {  	s15 =	simm.s32 @!p0 $0x5200  }
0xb8: {  	[tilespmem:s15], [sflag:$0x2] =	stream.indirect_vreg.gather @!p0 [hbm4b:s6+s17], $0x80, v2, vm1, $0xb8;
	[tilespmem:$0x18200] =	vst v63  }
0xb9: {  	s15 =	simm.s32 @!p0 $0x5A00  }
0xba: {  	[tilespmem:s15], [sflag:$0x2] =	stream.indirect_vreg.gather @!p0 [hbm4b:s7+s17], $0x80, v2, vm1, $0xb8;
	[tilespmem:$0x18200] =	vst v63  }
0xbb: {  	s15 =	simm.s32 @!p0 $0x6200  }
0xbc: {  	[tilespmem:s15], [sflag:$0x2] =	stream.indirect_vreg.gather @!p0 [hbm4b:s8+s17], $0x80, v2, vm1, $0xb8;
	[tilespmem:$0x18200] =	vst v63  }
0xbd: {  	s15 =	simm.s32 @!p0 $0x6A00  }
0xbe: {  	[tilespmem:s15], [sflag:$0x2] =	stream.indirect_vreg.gather @!p0 [hbm4b:s9+s17], $0x80, v2, vm1, $0xb8;
	[tilespmem:$0x18200] =	vst v63  }
0xbf: {  	s15 =	simm.s32 @!p0 $0x7200  }
0xc0: {  	[tilespmem:s15], [sflag:$0x2] =	stream.indirect_vreg.gather @!p0 [hbm4b:s10+s17], $0x80, v2, vm1, $0xb8;
	[tilespmem:$0x18200] =	vst v63  }
0xc1: {  	s15 =	simm.s32 @!p0 $0x7A00  }
0xc2: {  	[tilespmem:s15], [sflag:$0x2] =	stream.indirect_vreg.gather @!p0 [hbm4b:s12+s17], $0x80, v2, vm1, $0xb8;
	[tilespmem:$0x18200] =	vst v63  }
0xc3: {  	_ =	swait.ge [sflag:s23], $0x4000  }
0xc4: {  	[sflag:s23] =	ssyncset.done $0x0  }
0xc5: {  	[sflag:s23] =	ssyncadd.s32 $0xFFFFC000  }
0xc6: {  	_ =	swait.ge [sflag:s24], $0x800  }
0xc7: {  	[sflag:s24] =	ssyncset.done $0x0  }
0xc8: {  	s15 =	simm.s32 $0x8200;
	[sflag:s24] =	ssyncadd.s32 $0xFFFFF800  }
0xc9: {  	[spmem:s11] =	stream.linear.scatter [tilespmem:s15], [sflag:$0x7], $0x4000, $0x38;
	[tilespmem:$0x18200] =	vst v63  }
0xca: {  	_ =	swait.ge [sflag:s1], $0x4000  }
0xcb: {  	[sflag:s1] =	ssyncset.done $0x0  }
0xcc: {  	s15 =	sadd.s32 $0x1000, s29;
	[sflag:s1] =	ssyncadd.s32 $0xFFFFC000  }
0xcd: {  	[hbm:s15], [sflag:s30] =	dma.local [spmem:s4], $0x800  }
0xce: {  	v2 =	vld.msk @!p0 [tilespmem:s0+$0xFFFFFFF8], $0xff;
	_ =	sdelay $0x4  }
0xcf: {  	v5 =	vshll.u32 @!p0 v2, $0x4  }
0xd0: {  	v2 =	vand.u32 @!p0 $0x7, v2;
	v5 =	vand.u32 @!p0 $0xFFFFFF80, v5  }
0xd1: {  	v2 =	vor.u32 @!p0 v2, v5  }
0xd2: {  	v2 =	vperm.xlane @!p0 v2, v3;
	_ =	sdelay $0x1  }
0xd3: {  	v2 =	vadd.s32 @!p0 v4, v2;
	_ =	sdelay $0x3  }
0xd4: {  	s4 =	simm.s32 @!p0 $0x8200  }
0xd5: {  	[tilespmem:s4], [sflag:$0x3] =	stream.indirect_vreg.gather @!p0 [hbm4b:s2+s17], $0x80, v2, vm1, $0xb8;
	[tilespmem:$0x18200] =	vst v63  }
0xd6: {  	s4 =	simm.s32 @!p0 $0x8A00  }
0xd7: {  	[tilespmem:s4], [sflag:$0x3] =	stream.indirect_vreg.gather @!p0 [hbm4b:s5+s17], $0x80, v2, vm1, $0xb8;
	[tilespmem:$0x18200] =	vst v63  }
0xd8: {  	s4 =	simm.s32 @!p0 $0x9200  }
0xd9: {  	[tilespmem:s4], [sflag:$0x3] =	stream.indirect_vreg.gather @!p0 [hbm4b:s6+s17], $0x80, v2, vm1, $0xb8;
	[tilespmem:$0x18200] =	vst v63  }
0xda: {  	s4 =	simm.s32 @!p0 $0x9A00  }
0xdb: {  	[tilespmem:s4], [sflag:$0x3] =	stream.indirect_vreg.gather @!p0 [hbm4b:s7+s17], $0x80, v2, vm1, $0xb8;
	[tilespmem:$0x18200] =	vst v63  }
0xdc: {  	s4 =	simm.s32 @!p0 $0xA200  }
0xdd: {  	[tilespmem:s4], [sflag:$0x3] =	stream.indirect_vreg.gather @!p0 [hbm4b:s8+s17], $0x80, v2, vm1, $0xb8;
	[tilespmem:$0x18200] =	vst v63  }
0xde: {  	s4 =	simm.s32 @!p0 $0xAA00  }
0xdf: {  	[tilespmem:s4], [sflag:$0x3] =	stream.indirect_vreg.gather @!p0 [hbm4b:s9+s17], $0x80, v2, vm1, $0xb8;
	[tilespmem:$0x18200] =	vst v63  }
0xe0: {  	s4 =	simm.s32 @!p0 $0xB200  }
0xe1: {  	[tilespmem:s4], [sflag:$0x3] =	stream.indirect_vreg.gather @!p0 [hbm4b:s10+s17], $0x80, v2, vm1, $0xb8;
	[tilespmem:$0x18200] =	vst v63  }
0xe2: {  	s4 =	simm.s32 @!p0 $0xBA00  }
0xe3: {  	[tilespmem:s4], [sflag:$0x3] =	stream.indirect_vreg.gather @!p0 [hbm4b:s12+s17], $0x80, v2, vm1, $0xb8;
	[tilespmem:$0x18200] =	vst v63  }
0xe4: {  	_ =	swait.ge [sflag:s25], $0x4000  }
0xe5: {  	[sflag:s25] =	ssyncset.done $0x0  }
0xe6: {  	[sflag:s25] =	ssyncadd.s32 $0xFFFFC000  }
0xe7: {  	_ =	swait.ge [sflag:s21], $0x800  }
0xe8: {  	[sflag:s21] =	ssyncset.done $0x0  }
0xe9: {  	[sflag:s21] =	ssyncadd.s32 $0xFFFFF800  }
0xea: {  	[spmem:s13] =	stream.linear.scatter [tilespmem:s31], [sflag:$0x8], $0x4000, $0x38;
	[tilespmem:$0x18200] =	vst v63  }
.Ltmp5:
0xeb: {  	_ = 	snop;
	(pc) =	sbr.rel @p0 .LBB2_8-.Ltmp5, $4  }
0xec: {  	_ =	swait.ge [sflag:s28], $0x4000  }
0xed: {  	[sflag:s28] =	ssyncset.done $0x0  }
0xee: {  	s30 =	sadd.s32 $0x1800, s29;
	[sflag:s28] =	ssyncadd.s32 $0xFFFFC000  }
0xef: {  	[hbm:s30], [sflag:s14] =	dma.local [spmem:s16], $0x800  }
0xf0: {  	v2 =	vld.msk [tilespmem:s0+$0x0], $0xff;
	_ =	sdelay $0x4  }
0xf1: {  	v3 =	vshll.u32 v2, $0x4  }
0xf2: {  	v2 =	vand.u32 $0x7, v2;
	v3 =	vand.u32 $0xFFFFFF80, v3  }
0xf3: {  	v2 =	vor.u32 v2, v3  }
0xf4: {  	v2 =	vperm.xlane v2, v0;
	_ =	sdelay $0x1  }
0xf5: {  	v2 =	vadd.s32 v1, v2;
	_ =	sdelay $0x4  }
0xf6: {  	[tilespmem:s31], [sflag:$0x4] =	stream.indirect_vreg.gather [hbm4b:s2+s3], $0x80, v2, vm0, $0xb8;
	[tilespmem:$0x18200] =	vst v63  }
0xf7: {  	s4 =	simm.s32 $0xCA00  }
0xf8: {  	[tilespmem:s4], [sflag:$0x4] =	stream.indirect_vreg.gather [hbm4b:s5+s3], $0x80, v2, vm0, $0xb8;
	[tilespmem:$0x18200] =	vst v63  }
0xf9: {  	s14 =	simm.s32 $0xD200  }
0xfa: {  	[tilespmem:s14], [sflag:$0x4] =	stream.indirect_vreg.gather [hbm4b:s6+s3], $0x80, v2, vm0, $0xb8;
	[tilespmem:$0x18200] =	vst v63  }
0xfb: {  	s15 =	simm.s32 $0xDA00  }
0xfc: {  	[tilespmem:s15], [sflag:$0x4] =	stream.indirect_vreg.gather [hbm4b:s7+s3], $0x80, v2, vm0, $0xb8;
	[tilespmem:$0x18200] =	vst v63  }
0xfd: {  	s16 =	simm.s32 $0xE200  }
0xfe: {  	[tilespmem:s16], [sflag:$0x4] =	stream.indirect_vreg.gather [hbm4b:s8+s3], $0x80, v2, vm0, $0xb8;
	[tilespmem:$0x18200] =	vst v63  }
0xff: {  	s17 =	simm.s32 $0xEA00  }
0x100: {  	[tilespmem:s17], [sflag:$0x4] =	stream.indirect_vreg.gather [hbm4b:s9+s3], $0x80, v2, vm0, $0xb8;
	[tilespmem:$0x18200] =	vst v63  }
.Ltmp6:
0x101: {  	_ = 	snop;
	(pc) =	sbr.rel .LBB2_2-.Ltmp6, $4  }
0x102: {  	s29 =	simm.s32 $0xF200;
	s30 =	simm.s32 $0xFA00  }
0x103: {  	[tilespmem:s29], [sflag:$0x4] =	stream.indirect_vreg.gather [hbm4b:s10+s3], $0x80, v2, vm0, $0xb8;
	[tilespmem:$0x18200] =	vst v63  }
0x104: {  	s26 =	sadd.s32 $0x2000, s26;
	s0 =	sadd.s32 $0x20, s0;
	s15 =	simm.s32 $0x200  }
0x105: {  	[tilespmem:s30], [sflag:$0x4] =	stream.indirect_vreg.gather [hbm4b:s12+s3], $0x80, v2, vm0, $0xb8;
	[tilespmem:$0x18200] =	vst v63  }
.LBB2_9:
0x106: {  	_ =	sfence.sel $0x180000  }
0x107: {  	[bflag:$0x0] =	sbarrier.arrive $0xFFFF  }
0x108: {  	_ =	strace $0x90000047  }
0x109: {  	s0 =	stileid.u32;
	[bflag:$0x2] =	sbarrier.arrive $0xFFFF  }
0x10a: {  	p0 =	sne.s32 s0, $0x0;
	s0 =	rddreg [dreg:$0x4]  }
0x10b: {  	s0 =	sadd.s32 @!p0 $0x100000, s0  }
0x10c: {  	[sflag:s0] =	ssyncadd.tile.s32 @!p0 $0x1;
	_ =	shalt  }
.Lfunc_end2:
_tile_overlayer_lowered:
.L_overlay_start_2:
0x10d: {  	(tag) =	ssettag $0x2  }
0x10e: {  	s0 =	rddreg [dreg:$0x0];
	s2 =	stileid.u32  }
0x10f: {  	s1 =	rddreg [dreg:$0x1];
	p0 =	sne.s32 s2, $0x0  }
0x110: {  	s3 =	rddreg [dreg:$0x2];
	[bflag:$0x3] =	sbarrier.arrive $0xFFFF;
	s2 =	simm.s32 @!p0 $0x1C0B  }
0x111: {  	[timem:s3], [sflag:s2] =	dma.local @!p0 [hbm:s0], s1  }
0x112: {  	s0 =	simm.s32 @!p0 $0xB  }
0x113: {  	_ =	swait.ge @!p0 [sflag:s0], s1  }
0x114: {  	s1 =	ssub.s32 @!p0 $0x0, s1;
	[sflag:s0] =	ssyncset.done @!p0 $0x0  }
0x115: {  	[sflag:s0] =	ssyncadd.s32 @!p0 s1  }
0x116: {  	[bflag:$0x3] =	sbarrier.arrive $0xFFFF  }
0x117: {  	_ =	shalt  }

</sc_bundles>
